<compile_context>
chip_gen: v7x
topology: tpu7x:2x2x1
jax: 0.10.2.dev20260603
libtpu: 0.0.44.dev20260713+nightly
codegen_flags: <defaults>
</compile_context>

<pallas_src>
import functools

import jax
import jax.numpy as jnp
from jax import lax
from jax.experimental import pallas as pl
from jax.experimental.pallas import tpu as pltpu
from jax.experimental.pallas import tpu_sc as plsc

L = 16
HS = 32


def kernel(class_indices, templates):
    B, C, H, W = class_indices.shape
    K, R, S = templates.shape
    D = R * S
    N = B * C * H * W
    BC = B * C
    task_idx = HS * W

    idx_flat = class_indices.reshape(N).astype(jnp.int32)
    tab_flat = templates.reshape(K * D)

    info = plsc.get_sparse_core_info()
    nw = info.num_cores * info.num_subcores
    hslices = H // HS
    tasks = BC * hslices
    per_w = tasks // nw
    assert per_w * nw == tasks and HS * W % L == 0
    groups = task_idx // L

    mesh = plsc.VectorSubcoreMesh(core_axis_name="c", subcore_axis_name="s")

    @functools.partial(
        pl.kernel,
        mesh=mesh,
        compiler_params=pltpu.CompilerParams(needs_layout_passes=False),
        out_type=jax.ShapeDtypeStruct((N * D,), jnp.float32),
        scratch_types=[
            pltpu.VMEM((K * D,), jnp.float32),
            pltpu.VMEM((task_idx,), jnp.int32),
            pltpu.VMEM((D * task_idx,), jnp.float32),
        ],
    )
    def sc_lookup(idx_hbm, tab_hbm, out_hbm, tab_v, idx_v, out_v):
        wid = lax.axis_index("s") * info.num_cores + lax.axis_index("c")
        base_task = wid * per_w
        pltpu.sync_copy(tab_hbm, tab_v)

        def task_body(t, carry):
            task = base_task + t
            bc = lax.div(task, jnp.int32(hslices))
            hs = lax.rem(task, jnp.int32(hslices))
            in_off = bc * (H * W) + hs * task_idx
            pltpu.sync_copy(idx_hbm.at[pl.ds(in_off, task_idx)], idx_v)

            @plsc.parallel_loop(0, groups, step=1, unroll=4)
            def group_body(g):
                gbase = g * L
                ids = idx_v[pl.ds(gbase, L)] * D
                for j in range(D):
                    out_v[pl.ds(j * task_idx + gbase, L)] = plsc.load_gather(
                        tab_v, [ids + j]
                    )

            for j in range(D):
                pltpu.sync_copy(
                    out_v.at[pl.ds(j * task_idx, task_idx)],
                    out_hbm.at[pl.ds((bc * D + j) * (H * W) + hs * task_idx, task_idx)],
                )
            return carry

        lax.fori_loop(0, per_w, task_body, 0, unroll=False)

    out = sc_lookup(idx_flat, tab_flat)
    out = out.reshape(B, C, R, S, H, W)
    return out.transpose(0, 1, 4, 5, 2, 3)

# --- scband reference (transcript-rebuilt; emitter-appended) ---
"""Pipeline reference for scband-lookup-table-17179869184720 (READ-ONLY COPY).

The authoritative reference and input builder live on the scoring server;
editing this copy changes nothing except your own understanding.
"""

import jax, jax.numpy as jnp
import numpy as np


def setup_inputs(seed: int = 0) -> dict:
    key = jax.random.key(seed)
    k_idx, k_tab = jax.random.split(key)
    class_indices = jax.random.randint(k_idx, (32, 3, 128, 128), 0, 64, dtype=jnp.int64 if jax.config.jax_enable_x64 else jnp.int32)
    templates = jax.random.normal(k_tab, (64, 3, 3), dtype=jnp.float32)
    return {"class_indices": class_indices, "templates": templates}


def reference(class_indices, templates):
    B, C, H, W = class_indices.shape
    flat = class_indices.reshape(-1)
    gathered = jnp.take(templates, flat, axis=0)
    out = gathered.reshape(B, C, H, W, templates.shape[1], templates.shape[2])
    return out

if __name__ == "__main__":
    import jax
    _d = setup_inputs()
    print(jax.jit(kernel)(*tuple(_d.values())))

</pallas_src>

<mosaic_0001>
#map = affine_map<(d0, d1) -> (0)>
module attributes {stable_mosaic.version = 14 : i64} {
  func.func @sc_lookup(%arg0: i32, %arg1: i32, %arg2: memref<1572864xi32, #tpu.memory_space<hbm>>, %arg3: memref<576xf32, #tpu.memory_space<hbm>>, %arg4: memref<14155776xf32, #tpu.memory_space<hbm>>, %arg5: memref<576xf32, #tpu.memory_space<vmem>>, %arg6: memref<4096xi32, #tpu.memory_space<vmem>>, %arg7: memref<36864xf32, #tpu.memory_space<vmem>>) attributes {dimension_semantics = [#tpu.dimension_semantics<core_parallel>, #tpu.dimension_semantics<subcore_parallel>], iteration_bounds = array<i64: 2, 16>, scalar_prefetch = 0 : i64, scratch_operands = 3 : i64, tpu.core_type = #tpu.core_type<sc_vector_subcore>, window_params = [{transform_indices = #map}, {transform_indices = #map}, {transform_indices = #map}]} {
    %mul3A = arith.constant 2 : i32
    %mul3A_0 = arith.muli %arg1, %mul3A : i32
    %add3A = arith.addi %mul3A_0, %arg0 : i32
    %mul3A_1 = arith.constant 12 : i32
    %mul3A_2 = arith.muli %add3A, %mul3A_1 : i32
    "tpu.region"() ({
      %run_scoped3A = tpu.sem_alloc : memref<!tpu.dma_semaphore, #tpu.memory_space<semaphore_mem>>
      tpu.enqueue_dma source(%arg3 : memref<576xf32, #tpu.memory_space<hbm>>) target(%arg5 : memref<576xf32, #tpu.memory_space<vmem>>) target_semaphore(%run_scoped3A : memref<!tpu.dma_semaphore, #tpu.memory_space<semaphore_mem>>)
      tpu.wait_dma2 semaphore(%run_scoped3A : memref<!tpu.dma_semaphore, #tpu.memory_space<semaphore_mem>>) src(%arg3 : memref<576xf32, #tpu.memory_space<hbm>>) dst(%arg5 : memref<576xf32, #tpu.memory_space<vmem>>)
      tpu.yield
    }) : () -> ()
    %scan3A = arith.constant 0 : i32
    %scan3A_3 = arith.constant 0 : i32
    %scan3A_4 = arith.constant 12 : i32
    %scan3A_5 = arith.addi %scan3A_3, %scan3A_4 : i32
    %scan3A_6 = arith.constant 1 : i32
    scf.for %scan3A_8 = %scan3A_3 to %scan3A_5 step %scan3A_6  : i32 {
      %add3A_9 = arith.addi %mul3A_2, %scan3A_8 : i32
      %div3A = arith.constant 4 : i32
      %div3A_10 = arith.divsi %add3A_9, %div3A : i32
      %rem3A = arith.constant 4 : i32
      %rem3A_11 = arith.remsi %add3A_9, %rem3A : i32
      %mul3A_12 = arith.constant 16384 : i32
      %mul3A_13 = arith.muli %div3A_10, %mul3A_12 : i32
      %mul3A_14 = arith.constant 4096 : i32
      %mul3A_15 = arith.muli %rem3A_11, %mul3A_14 : i32
      %add3A_16 = arith.addi %mul3A_13, %mul3A_15 : i32
      "tpu.region"() ({
        %run_scoped3A = tpu.sem_alloc : memref<!tpu.dma_semaphore, #tpu.memory_space<semaphore_mem>>
        %dma_start3A = tpu.memref_slice %arg2[%add3A_16] : memref<1572864xi32, #tpu.memory_space<hbm>> -> memref<4096xi32, #tpu.memory_space<hbm>>
        %dma_start3A_100 = tpu.memref_slice %arg2[%add3A_16] : memref<1572864xi32, #tpu.memory_space<hbm>> -> memref<4096xi32, #tpu.memory_space<hbm>>
        tpu.enqueue_dma source(%dma_start3A_100 : memref<4096xi32, #tpu.memory_space<hbm>>) target(%arg6 : memref<4096xi32, #tpu.memory_space<vmem>>) target_semaphore(%run_scoped3A : memref<!tpu.dma_semaphore, #tpu.memory_space<semaphore_mem>>)
        %dma_wait3A = tpu.memref_slice %arg2[%add3A_16] : memref<1572864xi32, #tpu.memory_space<hbm>> -> memref<4096xi32, #tpu.memory_space<hbm>>
        %dma_wait3A_101 = tpu.memref_slice %arg2[%add3A_16] : memref<1572864xi32, #tpu.memory_space<hbm>> -> memref<4096xi32, #tpu.memory_space<hbm>>
        tpu.wait_dma2 semaphore(%run_scoped3A : memref<!tpu.dma_semaphore, #tpu.memory_space<semaphore_mem>>) src(%dma_wait3A_101 : memref<4096xi32, #tpu.memory_space<hbm>>) dst(%arg6 : memref<4096xi32, #tpu.memory_space<vmem>>)
        tpu.yield
      }) : () -> ()
      %parallel_loop3A = arith.constant 0 : i32
      %parallel_loop3A_17 = arith.constant 256 : i32
      %parallel_loop3A_18 = arith.constant 1 : i32
      scf.for %parallel_loop3A_100 = %parallel_loop3A to %parallel_loop3A_17 step %parallel_loop3A_18  : i32 {
        %parallel_loop3A_101 = arith.constant 16 : i32
        %parallel_loop3A_102 = arith.muli %parallel_loop3A_100, %parallel_loop3A_101 : i32
        %parallel_loop3A_103 = arith.index_cast %parallel_loop3A_102 : i32 to index
        %parallel_loop3A_104 = tpu.vector_load %arg6[%parallel_loop3A_103] {strides = array<i32>} : memref<4096xi32, #tpu.memory_space<vmem>>, vector<16xi32>,
        %parallel_loop3A_105 = arith.constant 9 : i32
        %parallel_loop3A_106 = vector.broadcast %parallel_loop3A_105 : i32 to vector<16xi32>
        %parallel_loop3A_107 = arith.muli %parallel_loop3A_104, %parallel_loop3A_106 : vector<16xi32>
        %parallel_loop3A_108 = arith.constant 0 : i32
        %parallel_loop3A_109 = vector.broadcast %parallel_loop3A_108 : i32 to vector<16xi32>
        %parallel_loop3A_110 = arith.addi %parallel_loop3A_107, %parallel_loop3A_109 : vector<16xi32>
        %parallel_loop3A_111 = tpu.vector_load_idx %arg5[%parallel_loop3A_110] : memref<576xf32, #tpu.memory_space<vmem>>[vector<16xi32>], vector<16xf32>,
        %parallel_loop3A_112 = arith.constant 0 : i32
        %parallel_loop3A_113 = arith.addi %parallel_loop3A_112, %parallel_loop3A_102 : i32
        %parallel_loop3A_114 = arith.index_cast %parallel_loop3A_113 : i32 to index
        %parallel_loop3A_115 = tpu.vector_load %arg7[%parallel_loop3A_114] {strides = array<i32>} : memref<36864xf32, #tpu.memory_space<vmem>>, vector<16xf32>,
        tpu.vector_store %arg7[%parallel_loop3A_114], %parallel_loop3A_111 {strides = array<i32>} : memref<36864xf32, #tpu.memory_space<vmem>>, vector<16xf32>,
        %parallel_loop3A_116 = arith.constant 1 : i32
        %parallel_loop3A_117 = vector.broadcast %parallel_loop3A_116 : i32 to vector<16xi32>
        %parallel_loop3A_118 = arith.addi %parallel_loop3A_107, %parallel_loop3A_117 : vector<16xi32>
        %parallel_loop3A_119 = tpu.vector_load_idx %arg5[%parallel_loop3A_118] : memref<576xf32, #tpu.memory_space<vmem>>[vector<16xi32>], vector<16xf32>,
        %parallel_loop3A_120 = arith.constant 4096 : i32
        %parallel_loop3A_121 = arith.addi %parallel_loop3A_120, %parallel_loop3A_102 : i32
        %parallel_loop3A_122 = arith.index_cast %parallel_loop3A_121 : i32 to index
        %parallel_loop3A_123 = tpu.vector_load %arg7[%parallel_loop3A_122] {strides = array<i32>} : memref<36864xf32, #tpu.memory_space<vmem>>, vector<16xf32>,
        tpu.vector_store %arg7[%parallel_loop3A_122], %parallel_loop3A_119 {strides = array<i32>} : memref<36864xf32, #tpu.memory_space<vmem>>, vector<16xf32>,
        %parallel_loop3A_124 = arith.constant 2 : i32
        %parallel_loop3A_125 = vector.broadcast %parallel_loop3A_124 : i32 to vector<16xi32>
        %parallel_loop3A_126 = arith.addi %parallel_loop3A_107, %parallel_loop3A_125 : vector<16xi32>
        %parallel_loop3A_127 = tpu.vector_load_idx %arg5[%parallel_loop3A_126] : memref<576xf32, #tpu.memory_space<vmem>>[vector<16xi32>], vector<16xf32>,
        %parallel_loop3A_128 = arith.constant 8192 : i32
        %parallel_loop3A_129 = arith.addi %parallel_loop3A_128, %parallel_loop3A_102 : i32
        %parallel_loop3A_130 = arith.index_cast %parallel_loop3A_129 : i32 to index
        %parallel_loop3A_131 = tpu.vector_load %arg7[%parallel_loop3A_130] {strides = array<i32>} : memref<36864xf32, #tpu.memory_space<vmem>>, vector<16xf32>,
        tpu.vector_store %arg7[%parallel_loop3A_130], %parallel_loop3A_127 {strides = array<i32>} : memref<36864xf32, #tpu.memory_space<vmem>>, vector<16xf32>,
        %parallel_loop3A_132 = arith.constant 3 : i32
        %parallel_loop3A_133 = vector.broadcast %parallel_loop3A_132 : i32 to vector<16xi32>
        %parallel_loop3A_134 = arith.addi %parallel_loop3A_107, %parallel_loop3A_133 : vector<16xi32>
        %parallel_loop3A_135 = tpu.vector_load_idx %arg5[%parallel_loop3A_134] : memref<576xf32, #tpu.memory_space<vmem>>[vector<16xi32>], vector<16xf32>,
        %parallel_loop3A_136 = arith.constant 12288 : i32
        %parallel_loop3A_137 = arith.addi %parallel_loop3A_136, %parallel_loop3A_102 : i32
        %parallel_loop3A_138 = arith.index_cast %parallel_loop3A_137 : i32 to index
        %parallel_loop3A_139 = tpu.vector_load %arg7[%parallel_loop3A_138] {strides = array<i32>} : memref<36864xf32, #tpu.memory_space<vmem>>, vector<16xf32>,
        tpu.vector_store %arg7[%parallel_loop3A_138], %parallel_loop3A_135 {strides = array<i32>} : memref<36864xf32, #tpu.memory_space<vmem>>, vector<16xf32>,
        %parallel_loop3A_140 = arith.constant 4 : i32
        %parallel_loop3A_141 = vector.broadcast %parallel_loop3A_140 : i32 to vector<16xi32>
        %parallel_loop3A_142 = arith.addi %parallel_loop3A_107, %parallel_loop3A_141 : vector<16xi32>
        %parallel_loop3A_143 = tpu.vector_load_idx %arg5[%parallel_loop3A_142] : memref<576xf32, #tpu.memory_space<vmem>>[vector<16xi32>], vector<16xf32>,
        %parallel_loop3A_144 = arith.constant 16384 : i32
        %parallel_loop3A_145 = arith.addi %parallel_loop3A_144, %parallel_loop3A_102 : i32
        %parallel_loop3A_146 = arith.index_cast %parallel_loop3A_145 : i32 to index
        %parallel_loop3A_147 = tpu.vector_load %arg7[%parallel_loop3A_146] {strides = array<i32>} : memref<36864xf32, #tpu.memory_space<vmem>>, vector<16xf32>,
        tpu.vector_store %arg7[%parallel_loop3A_146], %parallel_loop3A_143 {strides = array<i32>} : memref<36864xf32, #tpu.memory_space<vmem>>, vector<16xf32>,
        %parallel_loop3A_148 = arith.constant 5 : i32
        %parallel_loop3A_149 = vector.broadcast %parallel_loop3A_148 : i32 to vector<16xi32>
        %parallel_loop3A_150 = arith.addi %parallel_loop3A_107, %parallel_loop3A_149 : vector<16xi32>
        %parallel_loop3A_151 = tpu.vector_load_idx %arg5[%parallel_loop3A_150] : memref<576xf32, #tpu.memory_space<vmem>>[vector<16xi32>], vector<16xf32>,
        %parallel_loop3A_152 = arith.constant 20480 : i32
        %parallel_loop3A_153 = arith.addi %parallel_loop3A_152, %parallel_loop3A_102 : i32
        %parallel_loop3A_154 = arith.index_cast %parallel_loop3A_153 : i32 to index
        %parallel_loop3A_155 = tpu.vector_load %arg7[%parallel_loop3A_154] {strides = array<i32>} : memref<36864xf32, #tpu.memory_space<vmem>>, vector<16xf32>,
        tpu.vector_store %arg7[%parallel_loop3A_154], %parallel_loop3A_151 {strides = array<i32>} : memref<36864xf32, #tpu.memory_space<vmem>>, vector<16xf32>,
        %parallel_loop3A_156 = arith.constant 6 : i32
        %parallel_loop3A_157 = vector.broadcast %parallel_loop3A_156 : i32 to vector<16xi32>
        %parallel_loop3A_158 = arith.addi %parallel_loop3A_107, %parallel_loop3A_157 : vector<16xi32>
        %parallel_loop3A_159 = tpu.vector_load_idx %arg5[%parallel_loop3A_158] : memref<576xf32, #tpu.memory_space<vmem>>[vector<16xi32>], vector<16xf32>,
        %parallel_loop3A_160 = arith.constant 24576 : i32
        %parallel_loop3A_161 = arith.addi %parallel_loop3A_160, %parallel_loop3A_102 : i32
        %parallel_loop3A_162 = arith.index_cast %parallel_loop3A_161 : i32 to index
        %parallel_loop3A_163 = tpu.vector_load %arg7[%parallel_loop3A_162] {strides = array<i32>} : memref<36864xf32, #tpu.memory_space<vmem>>, vector<16xf32>,
        tpu.vector_store %arg7[%parallel_loop3A_162], %parallel_loop3A_159 {strides = array<i32>} : memref<36864xf32, #tpu.memory_space<vmem>>, vector<16xf32>,
        %parallel_loop3A_164 = arith.constant 7 : i32
        %parallel_loop3A_165 = vector.broadcast %parallel_loop3A_164 : i32 to vector<16xi32>
        %parallel_loop3A_166 = arith.addi %parallel_loop3A_107, %parallel_loop3A_165 : vector<16xi32>
        %parallel_loop3A_167 = tpu.vector_load_idx %arg5[%parallel_loop3A_166] : memref<576xf32, #tpu.memory_space<vmem>>[vector<16xi32>], vector<16xf32>,
        %parallel_loop3A_168 = arith.constant 28672 : i32
        %parallel_loop3A_169 = arith.addi %parallel_loop3A_168, %parallel_loop3A_102 : i32
        %parallel_loop3A_170 = arith.index_cast %parallel_loop3A_169 : i32 to index
        %parallel_loop3A_171 = tpu.vector_load %arg7[%parallel_loop3A_170] {strides = array<i32>} : memref<36864xf32, #tpu.memory_space<vmem>>, vector<16xf32>,
        tpu.vector_store %arg7[%parallel_loop3A_170], %parallel_loop3A_167 {strides = array<i32>} : memref<36864xf32, #tpu.memory_space<vmem>>, vector<16xf32>,
        %parallel_loop3A_172 = arith.constant 8 : i32
        %parallel_loop3A_173 = vector.broadcast %parallel_loop3A_172 : i32 to vector<16xi32>
        %parallel_loop3A_174 = arith.addi %parallel_loop3A_107, %parallel_loop3A_173 : vector<16xi32>
        %parallel_loop3A_175 = tpu.vector_load_idx %arg5[%parallel_loop3A_174] : memref<576xf32, #tpu.memory_space<vmem>>[vector<16xi32>], vector<16xf32>,
        %parallel_loop3A_176 = arith.constant 32768 : i32
        %parallel_loop3A_177 = arith.addi %parallel_loop3A_176, %parallel_loop3A_102 : i32
        %parallel_loop3A_178 = arith.index_cast %parallel_loop3A_177 : i32 to index
        %parallel_loop3A_179 = tpu.vector_load %arg7[%parallel_loop3A_178] {strides = array<i32>} : memref<36864xf32, #tpu.memory_space<vmem>>, vector<16xf32>,
        tpu.vector_store %arg7[%parallel_loop3A_178], %parallel_loop3A_175 {strides = array<i32>} : memref<36864xf32, #tpu.memory_space<vmem>>, vector<16xf32>,
      } {sc.loop_unroll_factor = 4 : i64, sc.parallel_access}
      %mul3A_19 = arith.constant 9 : i32
      %mul3A_20 = arith.muli %div3A_10, %mul3A_19 : i32
      %add3A_21 = arith.constant 0 : i32
      %add3A_22 = arith.addi %mul3A_20, %add3A_21 : i32
      %mul3A_23 = arith.constant 16384 : i32
      %mul3A_24 = arith.muli %add3A_22, %mul3A_23 : i32
      %mul3A_25 = arith.constant 4096 : i32
      %mul3A_26 = arith.muli %rem3A_11, %mul3A_25 : i32
      %add3A_27 = arith.addi %mul3A_24, %mul3A_26 : i32
      "tpu.region"() ({
        %run_scoped3A = tpu.sem_alloc : memref<!tpu.dma_semaphore, #tpu.memory_space<semaphore_mem>>
        %dma_start3A = arith.constant 0 : i32
        %dma_start3A_100 = tpu.memref_slice %arg7[%dma_start3A] : memref<36864xf32, #tpu.memory_space<vmem>> -> memref<4096xf32, #tpu.memory_space<vmem>>
        %dma_start3A_101 = tpu.memref_slice %arg4[%add3A_27] : memref<14155776xf32, #tpu.memory_space<hbm>> -> memref<4096xf32, #tpu.memory_space<hbm>>
        %dma_start3A_102 = tpu.memref_slice %arg4[%add3A_27] : memref<14155776xf32, #tpu.memory_space<hbm>> -> memref<4096xf32, #tpu.memory_space<hbm>>
        %dma_start3A_103 = arith.constant 0 : i32
        %dma_start3A_104 = tpu.memref_slice %arg7[%dma_start3A_103] : memref<36864xf32, #tpu.memory_space<vmem>> -> memref<4096xf32, #tpu.memory_space<vmem>>
        tpu.enqueue_dma source(%dma_start3A_104 : memref<4096xf32, #tpu.memory_space<vmem>>) target(%dma_start3A_102 : memref<4096xf32, #tpu.memory_space<hbm>>) target_semaphore(%run_scoped3A : memref<!tpu.dma_semaphore, #tpu.memory_space<semaphore_mem>>)
        %dma_wait3A = arith.constant 0 : i32
        %dma_wait3A_105 = tpu.memref_slice %arg7[%dma_wait3A] : memref<36864xf32, #tpu.memory_space<vmem>> -> memref<4096xf32, #tpu.memory_space<vmem>>
        %dma_wait3A_106 = tpu.memref_slice %arg4[%add3A_27] : memref<14155776xf32, #tpu.memory_space<hbm>> -> memref<4096xf32, #tpu.memory_space<hbm>>
        %dma_wait3A_107 = tpu.memref_slice %arg4[%add3A_27] : memref<14155776xf32, #tpu.memory_space<hbm>> -> memref<4096xf32, #tpu.memory_space<hbm>>
        %dma_wait3A_108 = arith.constant 0 : i32
        %dma_wait3A_109 = tpu.memref_slice %arg7[%dma_wait3A_108] : memref<36864xf32, #tpu.memory_space<vmem>> -> memref<4096xf32, #tpu.memory_space<vmem>>
        tpu.wait_dma2 semaphore(%run_scoped3A : memref<!tpu.dma_semaphore, #tpu.memory_space<semaphore_mem>>) src(%dma_wait3A_109 : memref<4096xf32, #tpu.memory_space<vmem>>) dst(%dma_wait3A_107 : memref<4096xf32, #tpu.memory_space<hbm>>)
        tpu.yield
      }) : () -> ()
      %mul3A_28 = arith.constant 9 : i32
      %mul3A_29 = arith.muli %div3A_10, %mul3A_28 : i32
      %add3A_30 = arith.constant 1 : i32
      %add3A_31 = arith.addi %mul3A_29, %add3A_30 : i32
      %mul3A_32 = arith.constant 16384 : i32
      %mul3A_33 = arith.muli %add3A_31, %mul3A_32 : i32
      %mul3A_34 = arith.constant 4096 : i32
      %mul3A_35 = arith.muli %rem3A_11, %mul3A_34 : i32
      %add3A_36 = arith.addi %mul3A_33, %mul3A_35 : i32
      "tpu.region"() ({
        %run_scoped3A = tpu.sem_alloc : memref<!tpu.dma_semaphore, #tpu.memory_space<semaphore_mem>>
        %dma_start3A = arith.constant 4096 : i32
        %dma_start3A_100 = tpu.memref_slice %arg7[%dma_start3A] : memref<36864xf32, #tpu.memory_space<vmem>> -> memref<4096xf32, #tpu.memory_space<vmem>>
        %dma_start3A_101 = tpu.memref_slice %arg4[%add3A_36] : memref<14155776xf32, #tpu.memory_space<hbm>> -> memref<4096xf32, #tpu.memory_space<hbm>>
        %dma_start3A_102 = tpu.memref_slice %arg4[%add3A_36] : memref<14155776xf32, #tpu.memory_space<hbm>> -> memref<4096xf32, #tpu.memory_space<hbm>>
        %dma_start3A_103 = arith.constant 4096 : i32
        %dma_start3A_104 = tpu.memref_slice %arg7[%dma_start3A_103] : memref<36864xf32, #tpu.memory_space<vmem>> -> memref<4096xf32, #tpu.memory_space<vmem>>
        tpu.enqueue_dma source(%dma_start3A_104 : memref<4096xf32, #tpu.memory_space<vmem>>) target(%dma_start3A_102 : memref<4096xf32, #tpu.memory_space<hbm>>) target_semaphore(%run_scoped3A : memref<!tpu.dma_semaphore, #tpu.memory_space<semaphore_mem>>)
        %dma_wait3A = arith.constant 4096 : i32
        %dma_wait3A_105 = tpu.memref_slice %arg7[%dma_wait3A] : memref<36864xf32, #tpu.memory_space<vmem>> -> memref<4096xf32, #tpu.memory_space<vmem>>
        %dma_wait3A_106 = tpu.memref_slice %arg4[%add3A_36] : memref<14155776xf32, #tpu.memory_space<hbm>> -> memref<4096xf32, #tpu.memory_space<hbm>>
        %dma_wait3A_107 = tpu.memref_slice %arg4[%add3A_36] : memref<14155776xf32, #tpu.memory_space<hbm>> -> memref<4096xf32, #tpu.memory_space<hbm>>
        %dma_wait3A_108 = arith.constant 4096 : i32
        %dma_wait3A_109 = tpu.memref_slice %arg7[%dma_wait3A_108] : memref<36864xf32, #tpu.memory_space<vmem>> -> memref<4096xf32, #tpu.memory_space<vmem>>
        tpu.wait_dma2 semaphore(%run_scoped3A : memref<!tpu.dma_semaphore, #tpu.memory_space<semaphore_mem>>) src(%dma_wait3A_109 : memref<4096xf32, #tpu.memory_space<vmem>>) dst(%dma_wait3A_107 : memref<4096xf32, #tpu.memory_space<hbm>>)
        tpu.yield
      }) : () -> ()
      %mul3A_37 = arith.constant 9 : i32
      %mul3A_38 = arith.muli %div3A_10, %mul3A_37 : i32
      %add3A_39 = arith.constant 2 : i32
      %add3A_40 = arith.addi %mul3A_38, %add3A_39 : i32
      %mul3A_41 = arith.constant 16384 : i32
      %mul3A_42 = arith.muli %add3A_40, %mul3A_41 : i32
      %mul3A_43 = arith.constant 4096 : i32
      %mul3A_44 = arith.muli %rem3A_11, %mul3A_43 : i32
      %add3A_45 = arith.addi %mul3A_42, %mul3A_44 : i32
      "tpu.region"() ({
        %run_scoped3A = tpu.sem_alloc : memref<!tpu.dma_semaphore, #tpu.memory_space<semaphore_mem>>
        %dma_start3A = arith.constant 8192 : i32
        %dma_start3A_100 = tpu.memref_slice %arg7[%dma_start3A] : memref<36864xf32, #tpu.memory_space<vmem>> -> memref<4096xf32, #tpu.memory_space<vmem>>
        %dma_start3A_101 = tpu.memref_slice %arg4[%add3A_45] : memref<14155776xf32, #tpu.memory_space<hbm>> -> memref<4096xf32, #tpu.memory_space<hbm>>
        %dma_start3A_102 = tpu.memref_slice %arg4[%add3A_45] : memref<14155776xf32, #tpu.memory_space<hbm>> -> memref<4096xf32, #tpu.memory_space<hbm>>
        %dma_start3A_103 = arith.constant 8192 : i32
        %dma_start3A_104 = tpu.memref_slice %arg7[%dma_start3A_103] : memref<36864xf32, #tpu.memory_space<vmem>> -> memref<4096xf32, #tpu.memory_space<vmem>>
        tpu.enqueue_dma source(%dma_start3A_104 : memref<4096xf32, #tpu.memory_space<vmem>>) target(%dma_start3A_102 : memref<4096xf32, #tpu.memory_space<hbm>>) target_semaphore(%run_scoped3A : memref<!tpu.dma_semaphore, #tpu.memory_space<semaphore_mem>>)
        %dma_wait3A = arith.constant 8192 : i32
        %dma_wait3A_105 = tpu.memref_slice %arg7[%dma_wait3A] : memref<36864xf32, #tpu.memory_space<vmem>> -> memref<4096xf32, #tpu.memory_space<vmem>>
        %dma_wait3A_106 = tpu.memref_slice %arg4[%add3A_45] : memref<14155776xf32, #tpu.memory_space<hbm>> -> memref<4096xf32, #tpu.memory_space<hbm>>
        %dma_wait3A_107 = tpu.memref_slice %arg4[%add3A_45] : memref<14155776xf32, #tpu.memory_space<hbm>> -> memref<4096xf32, #tpu.memory_space<hbm>>
        %dma_wait3A_108 = arith.constant 8192 : i32
        %dma_wait3A_109 = tpu.memref_slice %arg7[%dma_wait3A_108] : memref<36864xf32, #tpu.memory_space<vmem>> -> memref<4096xf32, #tpu.memory_space<vmem>>
        tpu.wait_dma2 semaphore(%run_scoped3A : memref<!tpu.dma_semaphore, #tpu.memory_space<semaphore_mem>>) src(%dma_wait3A_109 : memref<4096xf32, #tpu.memory_space<vmem>>) dst(%dma_wait3A_107 : memref<4096xf32, #tpu.memory_space<hbm>>)
        tpu.yield
      }) : () -> ()
      %mul3A_46 = arith.constant 9 : i32
      %mul3A_47 = arith.muli %div3A_10, %mul3A_46 : i32
      %add3A_48 = arith.constant 3 : i32
      %add3A_49 = arith.addi %mul3A_47, %add3A_48 : i32
      %mul3A_50 = arith.constant 16384 : i32
      %mul3A_51 = arith.muli %add3A_49, %mul3A_50 : i32
      %mul3A_52 = arith.constant 4096 : i32
      %mul3A_53 = arith.muli %rem3A_11, %mul3A_52 : i32
      %add3A_54 = arith.addi %mul3A_51, %mul3A_53 : i32
      "tpu.region"() ({
        %run_scoped3A = tpu.sem_alloc : memref<!tpu.dma_semaphore, #tpu.memory_space<semaphore_mem>>
        %dma_start3A = arith.constant 12288 : i32
        %dma_start3A_100 = tpu.memref_slice %arg7[%dma_start3A] : memref<36864xf32, #tpu.memory_space<vmem>> -> memref<4096xf32, #tpu.memory_space<vmem>>
        %dma_start3A_101 = tpu.memref_slice %arg4[%add3A_54] : memref<14155776xf32, #tpu.memory_space<hbm>> -> memref<4096xf32, #tpu.memory_space<hbm>>
        %dma_start3A_102 = tpu.memref_slice %arg4[%add3A_54] : memref<14155776xf32, #tpu.memory_space<hbm>> -> memref<4096xf32, #tpu.memory_space<hbm>>
        %dma_start3A_103 = arith.constant 12288 : i32
        %dma_start3A_104 = tpu.memref_slice %arg7[%dma_start3A_103] : memref<36864xf32, #tpu.memory_space<vmem>> -> memref<4096xf32, #tpu.memory_space<vmem>>
        tpu.enqueue_dma source(%dma_start3A_104 : memref<4096xf32, #tpu.memory_space<vmem>>) target(%dma_start3A_102 : memref<4096xf32, #tpu.memory_space<hbm>>) target_semaphore(%run_scoped3A : memref<!tpu.dma_semaphore, #tpu.memory_space<semaphore_mem>>)
        %dma_wait3A = arith.constant 12288 : i32
        %dma_wait3A_105 = tpu.memref_slice %arg7[%dma_wait3A] : memref<36864xf32, #tpu.memory_space<vmem>> -> memref<4096xf32, #tpu.memory_space<vmem>>
        %dma_wait3A_106 = tpu.memref_slice %arg4[%add3A_54] : memref<14155776xf32, #tpu.memory_space<hbm>> -> memref<4096xf32, #tpu.memory_space<hbm>>
        %dma_wait3A_107 = tpu.memref_slice %arg4[%add3A_54] : memref<14155776xf32, #tpu.memory_space<hbm>> -> memref<4096xf32, #tpu.memory_space<hbm>>
        %dma_wait3A_108 = arith.constant 12288 : i32
        %dma_wait3A_109 = tpu.memref_slice %arg7[%dma_wait3A_108] : memref<36864xf32, #tpu.memory_space<vmem>> -> memref<4096xf32, #tpu.memory_space<vmem>>
        tpu.wait_dma2 semaphore(%run_scoped3A : memref<!tpu.dma_semaphore, #tpu.memory_space<semaphore_mem>>) src(%dma_wait3A_109 : memref<4096xf32, #tpu.memory_space<vmem>>) dst(%dma_wait3A_107 : memref<4096xf32, #tpu.memory_space<hbm>>)
        tpu.yield
      }) : () -> ()
      %mul3A_55 = arith.constant 9 : i32
      %mul3A_56 = arith.muli %div3A_10, %mul3A_55 : i32
      %add3A_57 = arith.constant 4 : i32
      %add3A_58 = arith.addi %mul3A_56, %add3A_57 : i32
      %mul3A_59 = arith.constant 16384 : i32
      %mul3A_60 = arith.muli %add3A_58, %mul3A_59 : i32
      %mul3A_61 = arith.constant 4096 : i32
      %mul3A_62 = arith.muli %rem3A_11, %mul3A_61 : i32
      %add3A_63 = arith.addi %mul3A_60, %mul3A_62 : i32
      "tpu.region"() ({
        %run_scoped3A = tpu.sem_alloc : memref<!tpu.dma_semaphore, #tpu.memory_space<semaphore_mem>>
        %dma_start3A = arith.constant 16384 : i32
        %dma_start3A_100 = tpu.memref_slice %arg7[%dma_start3A] : memref<36864xf32, #tpu.memory_space<vmem>> -> memref<4096xf32, #tpu.memory_space<vmem>>
        %dma_start3A_101 = tpu.memref_slice %arg4[%add3A_63] : memref<14155776xf32, #tpu.memory_space<hbm>> -> memref<4096xf32, #tpu.memory_space<hbm>>
        %dma_start3A_102 = tpu.memref_slice %arg4[%add3A_63] : memref<14155776xf32, #tpu.memory_space<hbm>> -> memref<4096xf32, #tpu.memory_space<hbm>>
        %dma_start3A_103 = arith.constant 16384 : i32
        %dma_start3A_104 = tpu.memref_slice %arg7[%dma_start3A_103] : memref<36864xf32, #tpu.memory_space<vmem>> -> memref<4096xf32, #tpu.memory_space<vmem>>
        tpu.enqueue_dma source(%dma_start3A_104 : memref<4096xf32, #tpu.memory_space<vmem>>) target(%dma_start3A_102 : memref<4096xf32, #tpu.memory_space<hbm>>) target_semaphore(%run_scoped3A : memref<!tpu.dma_semaphore, #tpu.memory_space<semaphore_mem>>)
        %dma_wait3A = arith.constant 16384 : i32
        %dma_wait3A_105 = tpu.memref_slice %arg7[%dma_wait3A] : memref<36864xf32, #tpu.memory_space<vmem>> -> memref<4096xf32, #tpu.memory_space<vmem>>
        %dma_wait3A_106 = tpu.memref_slice %arg4[%add3A_63] : memref<14155776xf32, #tpu.memory_space<hbm>> -> memref<4096xf32, #tpu.memory_space<hbm>>
        %dma_wait3A_107 = tpu.memref_slice %arg4[%add3A_63] : memref<14155776xf32, #tpu.memory_space<hbm>> -> memref<4096xf32, #tpu.memory_space<hbm>>
        %dma_wait3A_108 = arith.constant 16384 : i32
        %dma_wait3A_109 = tpu.memref_slice %arg7[%dma_wait3A_108] : memref<36864xf32, #tpu.memory_space<vmem>> -> memref<4096xf32, #tpu.memory_space<vmem>>
        tpu.wait_dma2 semaphore(%run_scoped3A : memref<!tpu.dma_semaphore, #tpu.memory_space<semaphore_mem>>) src(%dma_wait3A_109 : memref<4096xf32, #tpu.memory_space<vmem>>) dst(%dma_wait3A_107 : memref<4096xf32, #tpu.memory_space<hbm>>)
        tpu.yield
      }) : () -> ()
      %mul3A_64 = arith.constant 9 : i32
      %mul3A_65 = arith.muli %div3A_10, %mul3A_64 : i32
      %add3A_66 = arith.constant 5 : i32
      %add3A_67 = arith.addi %mul3A_65, %add3A_66 : i32
      %mul3A_68 = arith.constant 16384 : i32
      %mul3A_69 = arith.muli %add3A_67, %mul3A_68 : i32
      %mul3A_70 = arith.constant 4096 : i32
      %mul3A_71 = arith.muli %rem3A_11, %mul3A_70 : i32
      %add3A_72 = arith.addi %mul3A_69, %mul3A_71 : i32
      "tpu.region"() ({
        %run_scoped3A = tpu.sem_alloc : memref<!tpu.dma_semaphore, #tpu.memory_space<semaphore_mem>>
        %dma_start3A = arith.constant 20480 : i32
        %dma_start3A_100 = tpu.memref_slice %arg7[%dma_start3A] : memref<36864xf32, #tpu.memory_space<vmem>> -> memref<4096xf32, #tpu.memory_space<vmem>>
        %dma_start3A_101 = tpu.memref_slice %arg4[%add3A_72] : memref<14155776xf32, #tpu.memory_space<hbm>> -> memref<4096xf32, #tpu.memory_space<hbm>>
        %dma_start3A_102 = tpu.memref_slice %arg4[%add3A_72] : memref<14155776xf32, #tpu.memory_space<hbm>> -> memref<4096xf32, #tpu.memory_space<hbm>>
        %dma_start3A_103 = arith.constant 20480 : i32
        %dma_start3A_104 = tpu.memref_slice %arg7[%dma_start3A_103] : memref<36864xf32, #tpu.memory_space<vmem>> -> memref<4096xf32, #tpu.memory_space<vmem>>
        tpu.enqueue_dma source(%dma_start3A_104 : memref<4096xf32, #tpu.memory_space<vmem>>) target(%dma_start3A_102 : memref<4096xf32, #tpu.memory_space<hbm>>) target_semaphore(%run_scoped3A : memref<!tpu.dma_semaphore, #tpu.memory_space<semaphore_mem>>)
        %dma_wait3A = arith.constant 20480 : i32
        %dma_wait3A_105 = tpu.memref_slice %arg7[%dma_wait3A] : memref<36864xf32, #tpu.memory_space<vmem>> -> memref<4096xf32, #tpu.memory_space<vmem>>
        %dma_wait3A_106 = tpu.memref_slice %arg4[%add3A_72] : memref<14155776xf32, #tpu.memory_space<hbm>> -> memref<4096xf32, #tpu.memory_space<hbm>>
        %dma_wait3A_107 = tpu.memref_slice %arg4[%add3A_72] : memref<14155776xf32, #tpu.memory_space<hbm>> -> memref<4096xf32, #tpu.memory_space<hbm>>
        %dma_wait3A_108 = arith.constant 20480 : i32
        %dma_wait3A_109 = tpu.memref_slice %arg7[%dma_wait3A_108] : memref<36864xf32, #tpu.memory_space<vmem>> -> memref<4096xf32, #tpu.memory_space<vmem>>
        tpu.wait_dma2 semaphore(%run_scoped3A : memref<!tpu.dma_semaphore, #tpu.memory_space<semaphore_mem>>) src(%dma_wait3A_109 : memref<4096xf32, #tpu.memory_space<vmem>>) dst(%dma_wait3A_107 : memref<4096xf32, #tpu.memory_space<hbm>>)
        tpu.yield
      }) : () -> ()
      %mul3A_73 = arith.constant 9 : i32
      %mul3A_74 = arith.muli %div3A_10, %mul3A_73 : i32
      %add3A_75 = arith.constant 6 : i32
      %add3A_76 = arith.addi %mul3A_74, %add3A_75 : i32
      %mul3A_77 = arith.constant 16384 : i32
      %mul3A_78 = arith.muli %add3A_76, %mul3A_77 : i32
      %mul3A_79 = arith.constant 4096 : i32
      %mul3A_80 = arith.muli %rem3A_11, %mul3A_79 : i32
      %add3A_81 = arith.addi %mul3A_78, %mul3A_80 : i32
      "tpu.region"() ({
        %run_scoped3A = tpu.sem_alloc : memref<!tpu.dma_semaphore, #tpu.memory_space<semaphore_mem>>
        %dma_start3A = arith.constant 24576 : i32
        %dma_start3A_100 = tpu.memref_slice %arg7[%dma_start3A] : memref<36864xf32, #tpu.memory_space<vmem>> -> memref<4096xf32, #tpu.memory_space<vmem>>
        %dma_start3A_101 = tpu.memref_slice %arg4[%add3A_81] : memref<14155776xf32, #tpu.memory_space<hbm>> -> memref<4096xf32, #tpu.memory_space<hbm>>
        %dma_start3A_102 = tpu.memref_slice %arg4[%add3A_81] : memref<14155776xf32, #tpu.memory_space<hbm>> -> memref<4096xf32, #tpu.memory_space<hbm>>
        %dma_start3A_103 = arith.constant 24576 : i32
        %dma_start3A_104 = tpu.memref_slice %arg7[%dma_start3A_103] : memref<36864xf32, #tpu.memory_space<vmem>> -> memref<4096xf32, #tpu.memory_space<vmem>>
        tpu.enqueue_dma source(%dma_start3A_104 : memref<4096xf32, #tpu.memory_space<vmem>>) target(%dma_start3A_102 : memref<4096xf32, #tpu.memory_space<hbm>>) target_semaphore(%run_scoped3A : memref<!tpu.dma_semaphore, #tpu.memory_space<semaphore_mem>>)
        %dma_wait3A = arith.constant 24576 : i32
        %dma_wait3A_105 = tpu.memref_slice %arg7[%dma_wait3A] : memref<36864xf32, #tpu.memory_space<vmem>> -> memref<4096xf32, #tpu.memory_space<vmem>>
        %dma_wait3A_106 = tpu.memref_slice %arg4[%add3A_81] : memref<14155776xf32, #tpu.memory_space<hbm>> -> memref<4096xf32, #tpu.memory_space<hbm>>
        %dma_wait3A_107 = tpu.memref_slice %arg4[%add3A_81] : memref<14155776xf32, #tpu.memory_space<hbm>> -> memref<4096xf32, #tpu.memory_space<hbm>>
        %dma_wait3A_108 = arith.constant 24576 : i32
        %dma_wait3A_109 = tpu.memref_slice %arg7[%dma_wait3A_108] : memref<36864xf32, #tpu.memory_space<vmem>> -> memref<4096xf32, #tpu.memory_space<vmem>>
        tpu.wait_dma2 semaphore(%run_scoped3A : memref<!tpu.dma_semaphore, #tpu.memory_space<semaphore_mem>>) src(%dma_wait3A_109 : memref<4096xf32, #tpu.memory_space<vmem>>) dst(%dma_wait3A_107 : memref<4096xf32, #tpu.memory_space<hbm>>)
        tpu.yield
      }) : () -> ()
      %mul3A_82 = arith.constant 9 : i32
      %mul3A_83 = arith.muli %div3A_10, %mul3A_82 : i32
      %add3A_84 = arith.constant 7 : i32
      %add3A_85 = arith.addi %mul3A_83, %add3A_84 : i32
      %mul3A_86 = arith.constant 16384 : i32
      %mul3A_87 = arith.muli %add3A_85, %mul3A_86 : i32
      %mul3A_88 = arith.constant 4096 : i32
      %mul3A_89 = arith.muli %rem3A_11, %mul3A_88 : i32
      %add3A_90 = arith.addi %mul3A_87, %mul3A_89 : i32
      "tpu.region"() ({
        %run_scoped3A = tpu.sem_alloc : memref<!tpu.dma_semaphore, #tpu.memory_space<semaphore_mem>>
        %dma_start3A = arith.constant 28672 : i32
        %dma_start3A_100 = tpu.memref_slice %arg7[%dma_start3A] : memref<36864xf32, #tpu.memory_space<vmem>> -> memref<4096xf32, #tpu.memory_space<vmem>>
        %dma_start3A_101 = tpu.memref_slice %arg4[%add3A_90] : memref<14155776xf32, #tpu.memory_space<hbm>> -> memref<4096xf32, #tpu.memory_space<hbm>>
        %dma_start3A_102 = tpu.memref_slice %arg4[%add3A_90] : memref<14155776xf32, #tpu.memory_space<hbm>> -> memref<4096xf32, #tpu.memory_space<hbm>>
        %dma_start3A_103 = arith.constant 28672 : i32
        %dma_start3A_104 = tpu.memref_slice %arg7[%dma_start3A_103] : memref<36864xf32, #tpu.memory_space<vmem>> -> memref<4096xf32, #tpu.memory_space<vmem>>
        tpu.enqueue_dma source(%dma_start3A_104 : memref<4096xf32, #tpu.memory_space<vmem>>) target(%dma_start3A_102 : memref<4096xf32, #tpu.memory_space<hbm>>) target_semaphore(%run_scoped3A : memref<!tpu.dma_semaphore, #tpu.memory_space<semaphore_mem>>)
        %dma_wait3A = arith.constant 28672 : i32
        %dma_wait3A_105 = tpu.memref_slice %arg7[%dma_wait3A] : memref<36864xf32, #tpu.memory_space<vmem>> -> memref<4096xf32, #tpu.memory_space<vmem>>
        %dma_wait3A_106 = tpu.memref_slice %arg4[%add3A_90] : memref<14155776xf32, #tpu.memory_space<hbm>> -> memref<4096xf32, #tpu.memory_space<hbm>>
        %dma_wait3A_107 = tpu.memref_slice %arg4[%add3A_90] : memref<14155776xf32, #tpu.memory_space<hbm>> -> memref<4096xf32, #tpu.memory_space<hbm>>
        %dma_wait3A_108 = arith.constant 28672 : i32
        %dma_wait3A_109 = tpu.memref_slice %arg7[%dma_wait3A_108] : memref<36864xf32, #tpu.memory_space<vmem>> -> memref<4096xf32, #tpu.memory_space<vmem>>
        tpu.wait_dma2 semaphore(%run_scoped3A : memref<!tpu.dma_semaphore, #tpu.memory_space<semaphore_mem>>) src(%dma_wait3A_109 : memref<4096xf32, #tpu.memory_space<vmem>>) dst(%dma_wait3A_107 : memref<4096xf32, #tpu.memory_space<hbm>>)
        tpu.yield
      }) : () -> ()
      %mul3A_91 = arith.constant 9 : i32
      %mul3A_92 = arith.muli %div3A_10, %mul3A_91 : i32
      %add3A_93 = arith.constant 8 : i32
      %add3A_94 = arith.addi %mul3A_92, %add3A_93 : i32
      %mul3A_95 = arith.constant 16384 : i32
      %mul3A_96 = arith.muli %add3A_94, %mul3A_95 : i32
      %mul3A_97 = arith.constant 4096 : i32
      %mul3A_98 = arith.muli %rem3A_11, %mul3A_97 : i32
      %add3A_99 = arith.addi %mul3A_96, %mul3A_98 : i32
      "tpu.region"() ({
        %run_scoped3A = tpu.sem_alloc : memref<!tpu.dma_semaphore, #tpu.memory_space<semaphore_mem>>
        %dma_start3A = arith.constant 32768 : i32
        %dma_start3A_100 = tpu.memref_slice %arg7[%dma_start3A] : memref<36864xf32, #tpu.memory_space<vmem>> -> memref<4096xf32, #tpu.memory_space<vmem>>
        %dma_start3A_101 = tpu.memref_slice %arg4[%add3A_99] : memref<14155776xf32, #tpu.memory_space<hbm>> -> memref<4096xf32, #tpu.memory_space<hbm>>
        %dma_start3A_102 = tpu.memref_slice %arg4[%add3A_99] : memref<14155776xf32, #tpu.memory_space<hbm>> -> memref<4096xf32, #tpu.memory_space<hbm>>
        %dma_start3A_103 = arith.constant 32768 : i32
        %dma_start3A_104 = tpu.memref_slice %arg7[%dma_start3A_103] : memref<36864xf32, #tpu.memory_space<vmem>> -> memref<4096xf32, #tpu.memory_space<vmem>>
        tpu.enqueue_dma source(%dma_start3A_104 : memref<4096xf32, #tpu.memory_space<vmem>>) target(%dma_start3A_102 : memref<4096xf32, #tpu.memory_space<hbm>>) target_semaphore(%run_scoped3A : memref<!tpu.dma_semaphore, #tpu.memory_space<semaphore_mem>>)
        %dma_wait3A = arith.constant 32768 : i32
        %dma_wait3A_105 = tpu.memref_slice %arg7[%dma_wait3A] : memref<36864xf32, #tpu.memory_space<vmem>> -> memref<4096xf32, #tpu.memory_space<vmem>>
        %dma_wait3A_106 = tpu.memref_slice %arg4[%add3A_99] : memref<14155776xf32, #tpu.memory_space<hbm>> -> memref<4096xf32, #tpu.memory_space<hbm>>
        %dma_wait3A_107 = tpu.memref_slice %arg4[%add3A_99] : memref<14155776xf32, #tpu.memory_space<hbm>> -> memref<4096xf32, #tpu.memory_space<hbm>>
        %dma_wait3A_108 = arith.constant 32768 : i32
        %dma_wait3A_109 = tpu.memref_slice %arg7[%dma_wait3A_108] : memref<36864xf32, #tpu.memory_space<vmem>> -> memref<4096xf32, #tpu.memory_space<vmem>>
        tpu.wait_dma2 semaphore(%run_scoped3A : memref<!tpu.dma_semaphore, #tpu.memory_space<semaphore_mem>>) src(%dma_wait3A_109 : memref<4096xf32, #tpu.memory_space<vmem>>) dst(%dma_wait3A_107 : memref<4096xf32, #tpu.memory_space<hbm>>)
        tpu.yield
      }) : () -> ()
    }
    %scan3A_7 = arith.constant 12 : i32
    return
  }
}

</mosaic_0001>

<sc_bundles>
// kernel: kernel.3.cloned.1.call-start
scs
__scs_entry_jumppad:
0x0: {  	(pc) =	sbr.rel $0x88, $3  }
0x1: {  	(tag) =	ssettag $0x0;
	lr =	simm.s32 $0x1  }
0x2: {  	[smem:$0x3F9F] =	sst lr;
	_ =	strace $0xD0000000  }
0x3: {  	_ = 	snop  }
0x4: {  	_ = 	snop  }
0x5: {  	_ = 	snop  }
0x6: {  	_ = 	snop  }
0x7: {  	_ = 	snop  }
__scs_overlays_trampoline_lowered:
0x8: {  	[smem:$0x3FAE] =	sst s0  }
0x9: {  	[smem:$0x3FAF] =	sst s1  }
0xa: {  	[smem:$0x3FB0] =	sst s2  }
0xb: {  	[smem:$0x3FB1] =	sst s3  }
0xc: {  	[smem:$0x3FB2] =	sst s4  }
0xd: {  	[smem:$0x3FB3] =	sst s5  }
0xe: {  	[smem:$0x3FB4] =	sst s6  }
0xf: {  	[smem:$0x3FB5] =	sst s7  }
0x10: {  	[smem:$0x3FB6] =	sst s8  }
0x11: {  	[smem:$0x3FB7] =	sst s9;
	s0 =	simm.s32 @!p0 $0x0  }
0x12: {  	s1 =	sld [smem:$0x3F9D];
	s0 =	simm.s32 @p0 $0x1  }
0x13: {  	[smem:$0x3FB8] =	sst s0;
	s0 =	simm.s32 @!p1 $0x0  }
0x14: {  	s2 =	sld [smem:$0x3F9C];
	s0 =	simm.s32 @p1 $0x1  }
0x15: {  	[smem:$0x3FB9] =	sst s0;
	s0 =	simm.s32 @!p2 $0x0  }
0x16: {  	s3 =	sld [smem:$0x3FDB];
	s0 =	simm.s32 @p2 $0x1  }
0x17: {  	s4 =	simm.s32 $0x1BF5;
	[smem:$0x3FBB] =	sst s0  }
0x18: {  	s0 =	sld [smem:$0x3F9E];
	_ =	swait.ge [sflag:s4], $0x0  }
0x19: {  	s7 =	sld [smem:$0x3F9F]  }
0x1a: {  	s8 =	sadd.s32 $0xFFFFE003, lr  }
0x1b: {  	s9 =	sadd.s32 $0xFFFFFEF7, lr;
	s5 =	simm.s32 $0xFFFFFFFF;
	p2 =	slt.u32 s8, $0xFFFFF086  }
0x1c: {  	p1 =	slt.u32 s9, $0xF7A;
	s5 =	simm.s32 @!p2 $0x0  }
0x1d: {  	s5 =	simm.s32 @p1 $0x1;
	p0 =	seq.s32 s7, s2  }
0x1e: {  	s7 =	smul.u32 @!p0 $0xF7A, s2;
	p2 =	seq.s32 @!p0 s5, $0x0  }
0x1f: {  	s9 =	smul.u32 $0xF7A, s1;
	s8 =	simm.s32 @!p0 $0x1BF5;
	p2 =	por !p2, p0  }
0x20: {  	[sflag:s8] =	ssyncset.s32 @!p0 $0xFFFFF086;
	s6 =	sadd.s32 @!p0 s3, s7;
	s7 =	simm.s32 @!p0 $0x108  }
0x21: {  	s3 =	sadd.s32 s3, s9;
	s6 =	sadd.s32 @!p0 $0x88, s6;
	s7 =	simm.s32 @p2 $0x1082  }
0x22: {  	[simem:s7], [sflag:s8] =	dma.local @!p0 [hbm:s6], $0xF7A  }
0x23: {  	s9 =	sor.u32 $0xD0000000, s2;
	s6 =	simm.s32 $0x108;
	_ =	swait.ge @!p0 [sflag:s8], $0x0  }
0x24: {  	s3 =	sadd.s32 $0x88, s3;
	s6 =	simm.s32 @!p1 $0x1082;
	[sflag:s4] =	ssyncset.s32 $0xFFFFF086  }
0x25: {  	[simem:s6], [sflag:s4] =	dma.local [hbm:s3], $0xF7A  }
0x26: {  	[smem:$0x3F9F] =	sst s1;
	(tag) =	ssettag s2;
	_ =	strace s9  }
0x27: {  	s1 =	sld [smem:$0x3FAF]  }
0x28: {  	s2 =	sld [smem:$0x3FB0]  }
0x29: {  	s4 =	sld [smem:$0x3FB2]  }
0x2a: {  	p0 =	seq.s32 s5, $0x0;
	s5 =	sld [smem:$0x3FB3]  }
0x2b: {  	s6 =	sld [smem:$0x3FB4]  }
0x2c: {  	s7 =	sld [smem:$0x3FB5]  }
0x2d: {  	s3 =	simm.s32 $0x108;
	s8 =	sld [smem:$0x3FB6]  }
0x2e: {  	s3 =	simm.s32 @!p0 $0x1082;
	s9 =	sld [smem:$0x3FB7]  }
0x2f: {  	lr =	sadd.s32 s0, s3;
	s0 =	sld [smem:$0x3FAE]  }
0x30: {  	s3 =	sld [smem:$0x3FB1]  }
0x31: {  	[smem:$0x3FBA] =	sst s10  }
0x32: {  	s10 =	sld [smem:$0x3FB8];
	_ =	sdelay $0x3  }
0x33: {  	p0 =	seq.s32 s10, $0x1;
	s10 =	sld [smem:$0x3FBA];
	_ =	sdelay $0x3  }
0x34: {  	[smem:$0x3FBA] =	sst s10  }
0x35: {  	s10 =	sld [smem:$0x3FB9];
	_ =	sdelay $0x3  }
0x36: {  	p1 =	seq.s32 s10, $0x1;
	s10 =	sld [smem:$0x3FBA];
	_ =	sdelay $0x3  }
0x37: {  	[smem:$0x3FBA] =	sst s10  }
0x38: {  	s10 =	sld [smem:$0x3FBB]  }
0x39: {  	_ = 	snop;
	(pc) =	sbr.ind lr, $3  }
0x3a: {  	_ = 	snop  }
0x3b: {  	_ = 	snop  }
0x3c: {  	p2 =	seq.s32 s10, $0x1;
	s10 =	sld [smem:$0x3FBA]  }
0x3d: {  	_ =	shalt  }
0x3e: {  	_ =	shalt  }
0x3f: {  	_ =	shalt  }
0x40: {  	_ =	shalt  }
0x41: {  	_ =	shalt  }
0x42: {  	_ =	shalt  }
0x43: {  	_ =	shalt  }
0x44: {  	_ =	shalt  }
0x45: {  	_ =	shalt  }
0x46: {  	_ =	shalt  }
0x47: {  	_ =	shalt  }
0x48: {  	_ =	shalt  }
0x49: {  	_ =	shalt  }
0x4a: {  	_ =	shalt  }
0x4b: {  	_ =	shalt  }
0x4c: {  	_ =	shalt  }
0x4d: {  	_ =	shalt  }
0x4e: {  	_ =	shalt  }
0x4f: {  	_ =	shalt  }
0x50: {  	_ =	shalt  }
0x51: {  	_ =	shalt  }
0x52: {  	_ =	shalt  }
0x53: {  	_ =	shalt  }
0x54: {  	_ =	shalt  }
0x55: {  	_ =	shalt  }
0x56: {  	_ =	shalt  }
0x57: {  	_ =	shalt  }
0x58: {  	_ =	shalt  }
0x59: {  	_ =	shalt  }
0x5a: {  	_ =	shalt  }
0x5b: {  	_ =	shalt  }
0x5c: {  	_ =	shalt  }
0x5d: {  	_ =	shalt  }
0x5e: {  	_ =	shalt  }
0x5f: {  	_ =	shalt  }
0x60: {  	_ =	shalt  }
0x61: {  	_ =	shalt  }
0x62: {  	_ =	shalt  }
0x63: {  	_ =	shalt  }
0x64: {  	_ =	shalt  }
0x65: {  	_ =	shalt  }
0x66: {  	_ =	shalt  }
0x67: {  	_ =	shalt  }
0x68: {  	_ =	shalt  }
0x69: {  	_ =	shalt  }
0x6a: {  	_ =	shalt  }
0x6b: {  	_ =	shalt  }
0x6c: {  	_ =	shalt  }
0x6d: {  	_ =	shalt  }
0x6e: {  	_ =	shalt  }
0x6f: {  	_ =	shalt  }
0x70: {  	_ =	shalt  }
0x71: {  	_ =	shalt  }
0x72: {  	_ =	shalt  }
0x73: {  	_ =	shalt  }
0x74: {  	_ =	shalt  }
0x75: {  	_ =	shalt  }
0x76: {  	_ =	shalt  }
0x77: {  	_ =	shalt  }
0x78: {  	_ =	shalt  }
0x79: {  	_ =	shalt  }
0x7a: {  	_ =	shalt  }
0x7b: {  	_ =	shalt  }
0x7c: {  	_ =	shalt  }
0x7d: {  	_ =	shalt  }
0x7e: {  	_ =	shalt  }
0x7f: {  	_ =	shalt  }
0x80: {  	_ =	shalt  }
0x81: {  	_ =	shalt  }
0x82: {  	_ =	shalt  }
0x83: {  	_ =	shalt  }
0x84: {  	_ =	shalt  }
0x85: {  	_ =	shalt  }
0x86: {  	_ =	shalt  }
0x87: {  	_ =	shalt  }
.Lfunc_end0:
.L_simem_size_0:
called_computation_lowered:
.L_overlay_start_0:
0x88: {  	s2 =	sld [smem:$0x3FD9]  }
0x89: {  	s3 =	sld [smem:$0x3FFE];
	_ =	sdelay $0x1  }
0x8a: {  	s1 =	srdreg.scid  }
0x8b: {  	s0 =	sand.u32 $0x1, s1  }
0x8c: {  	s17 =	sshll.u32 s0, $0xA;
	s2 =	sadd.s32 s3, s2  }
0x8d: {  	s2 =	sadd.s32 s2, s17  }
0x8e: {  	[smem:$0x3FC6] =	sst s2  }
0x8f: {  	_ = 	snop  }
0x90: {  	s2 =	sld [smem:$0x3FC9]  }
0x91: {  	s18 =	sld [smem:$0x3FD0];
	(tm) =	ssettm $0x1  }
0x92: {  	s4 =	sld [smem:$0x3FFB];
	_ =	sdelay $0x3  }
0x93: {  	_ =	strace s4  }
0x94: {  	s4 =	sld [smem:$0x3FFC];
	_ =	sdelay $0x3  }
0x95: {  	_ =	strace s4  }
0x96: {  	s4 =	sld [smem:$0x3FFD];
	_ =	sdelay $0x3  }
0x97: {  	_ =	strace s4  }
0x98: {  	_ =	strace $0x8FFFFFFF  }
0x99: {  	s19 =	sld [smem:$0x3FDB];
	_ =	sdelay $0x1  }
0x9a: {  	s5 =	simm.s32 $_scs_section_size  }
0x9b: {  	s6 =	simm.s32 $_size__tile_overlayer_lowered;
	s7 =	simm.s32 $_tile_overlayer_lowered  }
0x9c: {  	s22 =	simm.s32 $0x1BFF;
	s21 =	sshll.u32 s7, $0x1;
	s4 =	sadd.s32 s5, s19  }
0x9d: {  	s8 =	simm.s32 $0x0;
	s20 =	sshll.u32 s6, $0x1;
	s6 =	sadd.s32 s21, s4  }
0x9e: {  	[timem:s8], [sflag:s22] =	dma.local [hbm:s6], s20  }
0x9f: {  	_ =	swait.ge [sflag:s22], s20  }
0xa0: {  	s5 =	ssub.s32 $0x0, s20;
	[sflag:s22] =	ssyncset.done $0x0  }
0xa1: {  	[sflag:s22] =	ssyncadd.s32 s5;
	_ =	sdelay $0x1  }
0xa2: {  	s23 =	simm.s32 $0x1B8B  }
0xa3: {  	_ =	swait.ge [sflag:s23], $0x1  }
0xa4: {  	[sflag:s23] =	ssyncset.done $0x0  }
0xa5: {  	s25 =	simm.s32 $0x1B8E;
	s24 =	sld [smem:$0x3FFE];
	[sflag:s23] =	ssyncadd.s32 $0xFFFFFFFF  }
0xa6: {  	s26 =	simm.s32 $execute0_lowered;
	[smem:$0x3FD2] =	sst s25  }
0xa7: {  	s6 =	sshll.u32 s26, $0x1;
	_ =	strace $0x80000046;
	[dreg:$0x1] =	wrdreg $0xFFFFFFFF  }
0xa8: {  	s28 =	simm.s32 $_size_execute0_lowered;
	s4 =	sadd.s32 s4, s6;
	[dreg:$0x0] =	wrdreg $0x0  }
0xa9: {  	s6 =	sshll.u32 s28, $0x1;
	[dreg:$0x2] =	wrdreg s4  }
0xaa: {  	[dreg:$0x3] =	wrdreg s6  }
0xab: {  	[dreg:$0x4] =	wrdreg $0xC0  }
0xac: {  	_ =	task [dreg:s8], $0x5FFFF  }
0xad: {  	[dreg:$0x1] =	wrdreg $0xFFFFFFFF  }
0xae: {  	[dreg:$0x0] =	wrdreg $0x60  }
0xaf: {  	[dreg:$0x2] =	wrdreg s2  }
0xb0: {  	[dreg:$0x3] =	wrdreg s24  }
0xb1: {  	[dreg:$0x4] =	wrdreg s18  }
0xb2: {  	[dreg:$0x5] =	wrdreg $0x9  }
0xb3: {  	_ =	task.clear_ibuf [dreg:s8], $0x6FFFF;
	_ =	strace $0x90000046  }
0xb4: {  	s29 =	simm.s32 $0x9;
	_ =	strace $0x80000048  }
0xb5: {  	_ =	swait.ge [sflag:s29], $0x1  }
0xb6: {  	[sflag:s29] =	ssyncadd.s32 $0xFFFFFFFF  }
0xb7: {  	_ =	strace $0x90000048  }
0xb8: {  	_ =	sfence  }
0xb9: {  	s30 =	sld [smem:$0x0];
	_ =	sdelay $0x2  }
0xba: {  	s31 =	sshll.u32 s1, $0xD;
	s1 =	sshrl.u32 s1, $0x2  }
0xbb: {  	s3 =	sand.u32 $0x4000, s31;
	s1 =	sadd.s32 s1, s30  }
0xbc: {  	s0 =	sor.u32 s3, s0;
	s1 =	sshll.u32 s1, $0x11  }
0xbd: {  	s0 =	sor.u32 s1, s0  }
0xbe: {  	s0 =	sadd.s32 $0x8F2B, s0  }
0xbf: {  	[sflag:s0] =	ssyncadd.remote.s32 $0x1  }
0xc0: {  	_ =	sfence.sel $0xFFFF  }
0xc1: {  	[dreg:$0x0] =	wrdreg $0xFFFFFFFF;
	(pc) =	sbr.abs _section_cstart, $3  }
0xc2: {  	[dreg:$0x1] =	wrdreg $0xFFFFFFFF  }
0xc3: {  	_ =	task.clear_ibuf [dreg:s8], $0x2FFFF;
	_ =	strace $0x9FFFFFFF  }
0xc4: {  	(tm) =	ssettm $0x7FFFFFFF  }
0xc5: {  	_ =	shalt  }
tec
execute0_lowered:
.L_overlay_start_1:
0x0: {  	(tag) =	ssettag $0x1  }
0x1: {  	s1 =	rddreg [dreg:$0x0]  }
0x2: {  	s5 =	rddreg [dreg:$0x1]  }
0x3: {  	s2 =	rddreg [dreg:$0x2]  }
0x4: {  	s3 =	srdreg.scid;
	s0 =	rddreg [dreg:$0x3];
	s4 =	simm.s32 $0x0  }
0x5: {  	s10 =	simm.s32 $0x1280;
	s11 =	simm.s32 $0x2280;
	s12 =	simm.s32 $0x3280  }
0x6: {  	s13 =	simm.s32 $0x4280;
	s14 =	simm.s32 $0x5280;
	s15 =	simm.s32 $0x6280  }
0x7: {  	s16 =	simm.s32 $0x7280;
	s17 =	simm.s32 $0x8280;
	s18 =	simm.s32 $0x9280  }
0x8: {  	s19 =	simm.s32 $0x0;
	s6 =	sand.u32 $0x1, s3;
	s3 =	stileid.u32  }
0x9: {  	[smem:$0x7FF] =	sst s4;
	s5 =	sadd.s32 $0x400, s5;
	s7 =	ssub.s32 $0x2, s6  }
0xa: {  	s9 =	sshll.u32 s3, $0x1;
	_ =	strace $0x80000047;
	s8 =	sshrl.u32 s7, $0x1  }
0xb: {  	s6 =	sor.u32 s6, s9;
	s9 =	simm.s32 $0x280;
	s7 =	ssub.s32 s7, s8  }
0xc: {  	s6 =	smul.u32 $0xC, s6;
	s8 =	simm.s32 $0x1;
	s7 =	smax.u32 s7, $0x1  }
.LBB2_1:
0xd: {  	[tilespmem:s4], [sflag:$0x1] =	stream.linear.gather [hbm4b:s5+s4], $0x280, $0x38;
	[tilespmem:$0xA280] =	vst v63  }
0xe: {  	_ =	swait.ge [sflag:s8], $0x280  }
0xf: {  	[sflag:s8] =	ssyncset.done $0x0  }
0x10: {  	s20 =	simm.s32 $0x0;
	[sflag:s8] =	ssyncadd.s32 $0xFFFFFD80  }
.LBB2_2:
0x11: {  	s21 =	sadd.s32 s6, s20  }
0x12: {  	s31 =	sshll.u32 s20, $0xC;
	s22 =	sshrl.u32 s21, $0x2  }
0x13: {  	s21 =	sand.u32 $0x3000, s31;
	s23 =	sshll.u32 s22, $0xE  }
0x14: {  	s23 =	sor.u32 s21, s23  }
0x15: {  	s23 =	sshrl.u32 s23, $0x3  }
0x16: {  	s24 =	simm.s32 $0x0;
	s23 =	sadd.s32 s1, s23  }
0x17: {  	[tilespmem:s9], [sflag:$0x1] =	stream.linear.gather [hbm4b:s23+s24], $0x1000, $0x38;
	[tilespmem:$0xA280] =	vst v63  }
0x18: {  	_ =	swait.ge [sflag:s8], $0x1000  }
0x19: {  	[sflag:s8] =	ssyncset.done $0x0  }
0x1a: {  	s23 =	simm.s32 $0x0;
	[sflag:s8] =	ssyncadd.s32 $0xFFFFF000  }
0x1b: {  	v0 =	vld [tilespmem:s23+$0x2B0]  }
0x1c: {  	v1 =	vld [tilespmem:s23+$0x280];
	_ =	sdelay $0x2  }
0x1d: {  	v2 =	vld [tilespmem:s23+$0x290]  }
0x1e: {  	v3 =	vmul.u32 $0x9, v0;
	v0 =	vld [tilespmem:s23+$0x2A0]  }
0x1f: {  	v1 =	vmul.u32 $0x9, v1;
	_ =	sdelay $0x2  }
0x20: {  	v4 =	vmul.u32 $0x9, v2  }
0x21: {  	v2 =	vmul.u32 $0x9, v0  }
0x22: {  	v5 =	vld.idx.msk [tilespmem:v3+s4+$0x0], $0xffff  }
0x23: {  	v6 =	vadd.s32 $0x1, v3;
	v0 =	vld.idx.msk [tilespmem:v1+s4+$0x0], $0xffff;
	_ =	sdelay $0x1  }
0x24: {  	v7 =	vadd.s32 $0x1, v1  }
0x25: {  	v8 =	vld.idx.msk [tilespmem:v4+s4+$0x0], $0xffff  }
0x26: {  	[tilespmem:s23+$0x12B0] =	vst v5;
	v5 =	vadd.s32 $0x1, v4;
	v10 =	vld.idx.msk [tilespmem:v2+s4+$0x0], $0xffff  }
0x27: {  	[tilespmem:s23+$0x1280] =	vst v0;
	v0 =	vadd.s32 $0x1, v2;
	v6 =	vld.idx.msk [tilespmem:v6+s4+$0x0], $0xffff  }
0x28: {  	v9 =	vadd.s32 $0x2, v3  }
0x29: {  	v7 =	vld.idx.msk [tilespmem:v7+s4+$0x0], $0xffff  }
0x2a: {  	[tilespmem:s23+$0x1290] =	vst v8  }
0x2b: {  	v8 =	vadd.s32 $0x2, v1;
	v5 =	vld.idx.msk [tilespmem:v5+s4+$0x0], $0xffff;
	[tilespmem:s23+$0x12A0] =	vst v10  }
0x2c: {  	[tilespmem:s23+$0x22B0] =	vst v6;
	v6 =	vadd.s32 $0x2, v4;
	v0 =	vld.idx.msk [tilespmem:v0+s4+$0x0], $0xffff  }
0x2d: {  	s24 =	sand.u32 $0xFC0, s24;
	v9 =	vld.idx.msk [tilespmem:v9+s4+$0x0], $0xffff  }
0x2e: {  	[tilespmem:s24+$0x2280] =	vst v7;
	v7 =	vadd.s32 $0x2, v2  }
0x2f: {  	v11 =	vadd.s32 $0x3, v3  }
0x30: {  	v8 =	vld.idx.msk [tilespmem:v8+s4+$0x0], $0xffff;
	[tilespmem:s23+$0x2290] =	vst v5  }
0x31: {  	s25 =	simm.s32 $0x40;
	v5 =	vadd.s32 $0x3, v1;
	v6 =	vld.idx.msk [tilespmem:v6+s4+$0x0], $0xffff;
	[tilespmem:s23+$0x22A0] =	vst v0  }
0x32: {  	v13 =	vld [tilespmem:s25+$0x290];
	[tilespmem:s23+$0x32B0] =	vst v9;
	v9 =	vadd.s32 $0x3, v4  }
0x33: {  	v0 =	vld.idx.msk [tilespmem:v7+s4+$0x0], $0xffff  }
0x34: {  	v10 =	vld.idx.msk [tilespmem:v11+s4+$0x0], $0xffff  }
0x35: {  	v15 =	vld [tilespmem:s25+$0x2A0];
	[tilespmem:s24+$0x3280] =	vst v8;
	v7 =	vadd.s32 $0x3, v2  }
0x36: {  	v11 =	vadd.s32 $0x4, v3;
	v5 =	vld.idx.msk [tilespmem:v5+s4+$0x0], $0xffff;
	[tilespmem:s23+$0x3290] =	vst v6  }
0x37: {  	v6 =	vld.idx.msk [tilespmem:v9+s4+$0x0], $0xffff  }
0x38: {  	v9 =	vld [tilespmem:s25+$0x2B0];
	[tilespmem:s23+$0x32A0] =	vst v0  }
0x39: {  	v12 =	vadd.s32 $0x4, v1;
	[tilespmem:s23+$0x42B0] =	vst v10;
	v10 =	vld [tilespmem:s25+$0x280]  }
0x3a: {  	v7 =	vld.idx.msk [tilespmem:v7+s4+$0x0], $0xffff  }
0x3b: {  	v14 =	vadd.s32 $0x4, v4;
	v8 =	vld.idx.msk [tilespmem:v11+s4+$0x0], $0xffff  }
0x3c: {  	v11 =	vadd.s32 $0x5, v3  }
0x3d: {  	v13 =	vmul.u32 $0x9, v13;
	v16 =	vadd.s32 $0x4, v2;
	[tilespmem:s24+$0x4280] =	vst v5  }
0x3e: {  	v0 =	vmul.u32 $0x9, v9;
	[tilespmem:s23+$0x4290] =	vst v6;
	v6 =	vld.idx.msk [tilespmem:v12+s4+$0x0], $0xffff  }
0x3f: {  	v20 =	vmul.u32 $0x9, v10;
	[tilespmem:s23+$0x42A0] =	vst v7  }
0x40: {  	v7 =	vld.idx.msk [tilespmem:v14+s4+$0x0], $0xffff;
	v14 =	vmul.u32 $0x9, v15;
	[tilespmem:s23+$0x52B0] =	vst v8  }
0x41: {  	v5 =	vld.idx.msk [tilespmem:v11+s4+$0x0], $0xffff  }
0x42: {  	v10 =	vadd.s32 $0x5, v1;
	v9 =	vld.idx.msk [tilespmem:v16+s4+$0x0], $0xffff  }
0x43: {  	v8 =	vadd.s32 $0x6, v3;
	[tilespmem:s24+$0x5280] =	vst v6;
	v6 =	vld.idx.msk [tilespmem:v13+s4+$0x0], $0xffff  }
0x44: {  	v12 =	vadd.s32 $0x5, v4;
	v11 =	vld.idx.msk [tilespmem:v0+s4+$0x0], $0xffff  }
0x45: {  	v18 =	vadd.s32 $0x1, v13;
	[tilespmem:s23+$0x5290] =	vst v7;
	v15 =	vld.idx.msk [tilespmem:v20+s4+$0x0], $0xffff  }
0x46: {  	v7 =	vld.idx.msk [tilespmem:v14+s4+$0x0], $0xffff;
	[tilespmem:s23+$0x62B0] =	vst v5;
	v5 =	vadd.s32 $0x1, v0  }
0x47: {  	v16 =	vadd.s32 $0x1, v20;
	[tilespmem:s23+$0x52A0] =	vst v9;
	v9 =	vld.idx.msk [tilespmem:v10+s4+$0x0], $0xffff  }
0x48: {  	v10 =	vadd.s32 $0x1, v14;
	v8 =	vld.idx.msk [tilespmem:v8+s4+$0x0], $0xffff;
	[tilespmem:s25+$0x1290] =	vst v6  }
0x49: {  	v17 =	vadd.s32 $0x7, v3;
	[tilespmem:s25+$0x12B0] =	vst v11;
	v11 =	vld.idx.msk [tilespmem:v12+s4+$0x0], $0xffff  }
0x4a: {  	v12 =	vadd.s32 $0x5, v2;
	v18 =	vld.idx.msk [tilespmem:v18+s4+$0x0], $0xffff;
	[tilespmem:s25+$0x1280] =	vst v15  }
0x4b: {  	v15 =	vadd.s32 $0x6, v1;
	[tilespmem:s25+$0x12A0] =	vst v7;
	v5 =	vld.idx.msk [tilespmem:v5+s4+$0x0], $0xffff  }
0x4c: {  	[tilespmem:s24+$0x6280] =	vst v9;
	v9 =	vadd.s32 $0x2, v13;
	v16 =	vld.idx.msk [tilespmem:v16+s4+$0x0], $0xffff  }
0x4d: {  	v6 =	vadd.s32 $0x2, v0;
	v7 =	vld.idx.msk [tilespmem:v10+s4+$0x0], $0xffff;
	[tilespmem:s23+$0x72B0] =	vst v8  }
0x4e: {  	v8 =	vld.idx.msk [tilespmem:v17+s4+$0x0], $0xffff;
	v17 =	vadd.s32 $0x2, v20;
	[tilespmem:s23+$0x6290] =	vst v11  }
0x4f: {  	s28 =	simm.s32 $0x40;
	v3 =	vadd.s32 $0x8, v3;
	v10 =	vld.idx.msk [tilespmem:v12+s4+$0x0], $0xffff;
	[tilespmem:s25+$0x2290] =	vst v18  }
0x50: {  	s26 =	sand.u32 $0xFC0, s28;
	v12 =	vadd.s32 $0x6, v4;
	[tilespmem:s25+$0x22B0] =	vst v5;
	v5 =	vld.idx.msk [tilespmem:v15+s4+$0x0], $0xffff  }
0x51: {  	v11 =	vadd.s32 $0x2, v14;
	v9 =	vld.idx.msk [tilespmem:v9+s4+$0x0], $0xffff;
	[tilespmem:s26+$0x2280] =	vst v16  }
0x52: {  	v15 =	vadd.s32 $0x6, v2;
	[tilespmem:s25+$0x22A0] =	vst v7;
	v6 =	vld.idx.msk [tilespmem:v6+s4+$0x0], $0xffff  }
0x53: {  	v7 =	vadd.s32 $0x7, v1;
	v16 =	vld.idx.msk [tilespmem:v17+s4+$0x0], $0xffff;
	[tilespmem:s23+$0x82B0] =	vst v8  }
0x54: {  	v8 =	vadd.s32 $0x3, v0;
	v17 =	vld.idx.msk [tilespmem:v3+s4+$0x0], $0xffff  }
0x55: {  	v18 =	vadd.s32 $0x3, v20;
	[tilespmem:s24+$0x7280] =	vst v5;
	v5 =	vld.idx.msk [tilespmem:v12+s4+$0x0], $0xffff  }
0x56: {  	v25 =	vadd.s32 $0x7, v4;
	v21 =	vld.idx.msk [tilespmem:v11+s4+$0x0], $0xffff;
	[tilespmem:s23+$0x62A0] =	vst v10  }
0x57: {  	[tilespmem:s25+$0x32B0] =	vst v6;
	v6 =	vld.idx.msk [tilespmem:v15+s4+$0x0], $0xffff  }
0x58: {  	v23 =	vadd.s32 $0x3, v13;
	v27 =	vadd.s32 $0x7, v2;
	v19 =	vld.idx.msk [tilespmem:v7+s4+$0x0], $0xffff  }
0x59: {  	v24 =	vadd.s32 $0x3, v14;
	v3 =	vadd.s32 $0x8, v1;
	v1 =	vadd.s32 $0x8, v4;
	[tilespmem:s26+$0x3280] =	vst v16;
	v26 =	vld.idx.msk [tilespmem:v8+s4+$0x0], $0xffff  }
0x5a: {  	v10 =	vadd.s32 $0x5, v20;
	v4 =	vadd.s32 $0x7, v20;
	v7 =	vadd.s32 $0x6, v20;
	v22 =	vld.idx.msk [tilespmem:v18+s4+$0x0], $0xffff;
	[tilespmem:s23+$0x7290] =	vst v5  }
0x5b: {  	[tilespmem:s25+$0x3290] =	vst v9;
	v15 =	vadd.s32 $0x8, v20;
	v16 =	vadd.s32 $0x4, v20;
	v20 =	vld.idx.msk [tilespmem:v25+s4+$0x0], $0xffff;
	v25 =	vadd.s32 $0x4, v0  }
0x5c: {  	v2 =	vadd.s32 $0x8, v2;
	v11 =	vadd.s32 $0x5, v13;
	[tilespmem:s23+$0x92B0] =	vst v17  }
0x5d: {  	v9 =	vadd.s32 $0x6, v13;
	v12 =	vadd.s32 $0x5, v14;
	v23 =	vld.idx.msk [tilespmem:v23+s4+$0x0], $0xffff;
	v8 =	vadd.s32 $0x6, v14;
	[tilespmem:s25+$0x32A0] =	vst v21  }
0x5e: {  	v18 =	vadd.s32 $0x4, v13;
	v17 =	vadd.s32 $0x4, v14;
	v24 =	vld.idx.msk [tilespmem:v24+s4+$0x0], $0xffff;
	v5 =	vadd.s32 $0x7, v13;
	[tilespmem:s23+$0x72A0] =	vst v6  }
0x5f: {  	s29 =	simm.s32 $0x4;
	s30 =	simm.s32 $0x200;
	v13 =	vadd.s32 $0x8, v13;
	v6 =	vadd.s32 $0x7, v14;
	v14 =	vadd.s32 $0x8, v14;
	[tilespmem:s25+$0x42B0] =	vst v26;
	v21 =	vld.idx.msk [tilespmem:v27+s4+$0x0], $0xffff  }
.LBB2_3:
0x60: {  	s31 =	sshra.s32 s30, $0x2;
	s29 =	sadd.s32 $0x4, s29;
	[tilespmem:s26+$0x4280] =	vst v22;
	v22 =	vld.idx.msk [tilespmem:v25+s4+$0x0], $0xffff  }
0x61: {  	v25 =	vld [tilespmem:s31+$0x2B0];
	p0 =	slt.u32 s29, $0xFC;
	[tilespmem:s24+$0x8280] =	vst v19  }
0x62: {  	v19 =	vld [tilespmem:s31+$0x280];
	[tilespmem:s25+$0x4290] =	vst v23;
	v23 =	vadd.s32 $0x5, v0  }
0x63: {  	v26 =	vld [tilespmem:s31+$0x290];
	[tilespmem:s25+$0x42A0] =	vst v24  }
0x64: {  	v24 =	vld [tilespmem:s31+$0x2A0];
	[tilespmem:s23+$0x8290] =	vst v20  }
0x65: {  	v16 =	vld.idx.msk [tilespmem:v16+s4+$0x0], $0xffff;
	[tilespmem:s23+$0x82A0] =	vst v21  }
0x66: {  	v20 =	vmul.u32 $0x9, v25;
	v18 =	vld.idx.msk [tilespmem:v18+s4+$0x0], $0xffff;
	[tilespmem:s25+$0x52B0] =	vst v22  }
0x67: {  	v19 =	vmul.u32 $0x9, v19;
	v21 =	vld.idx.msk [tilespmem:v23+s4+$0x0], $0xffff  }
0x68: {  	v22 =	vmul.u32 $0x9, v26;
	v23 =	vld.idx.msk [tilespmem:v17+s4+$0x0], $0xffff  }
0x69: {  	v26 =	vadd.s32 $0x6, v0;
	v25 =	vadd.s32 $0x1, v19;
	v24 =	vmul.u32 $0x9, v24;
	v27 =	vld.idx.msk [tilespmem:v3+s4+$0x0], $0xffff;
	v3 =	vmovc v15  }
0x6a: {  	v28 =	vadd.s32 $0x2, v19;
	v29 =	vadd.s32 $0x1, v22;
	v30 =	vadd.s32 $0x2, v22;
	v15 =	vld.idx.msk [tilespmem:v1+s4+$0x0], $0xffff;
	v1 =	vmovc v13  }
0x6b: {  	v31 =	vadd.s32 $0x3, v19;
	v32 =	vadd.s32 $0x1, v24;
	v33 =	vadd.s32 $0x2, v24;
	[tilespmem:s26+$0x5280] =	vst v16;
	v34 =	vld.idx.msk [tilespmem:v2+s4+$0x0], $0xffff;
	v2 =	vmovc v14  }
0x6c: {  	v35 =	vadd.s32 $0x3, v22;
	v16 =	vadd.s32 $0x4, v19;
	v36 =	vadd.s32 $0x3, v24;
	v37 =	vld.idx.msk [tilespmem:v20+s4+$0x0], $0xffff;
	[tilespmem:s25+$0x5290] =	vst v18  }
0x6d: {  	v14 =	vadd.s32 $0x5, v19;
	v17 =	vadd.s32 $0x4, v24;
	v18 =	vadd.s32 $0x4, v22;
	v38 =	vld.idx.msk [tilespmem:v19+s4+$0x0], $0xffff;
	[tilespmem:s25+$0x62B0] =	vst v21  }
0x6e: {  	v40 =	vadd.s32 $0x1, v20;
	v39 =	vadd.s32 $0x5, v24;
	v21 =	vadd.s32 $0x5, v22;
	[tilespmem:s25+$0x52A0] =	vst v23;
	v23 =	vld.idx.msk [tilespmem:v26+s4+$0x0], $0xffff  }
0x6f: {  	v42 =	vadd.s32 $0x6, v22;
	v43 =	vadd.s32 $0x6, v24;
	v26 =	vadd.s32 $0x6, v19;
	v41 =	vld.idx.msk [tilespmem:v22+s4+$0x0], $0xffff;
	[tilespmem:s24+$0x9280] =	vst v27;
	s24 =	smov.u32 s26  }
0x70: {  	v46 =	vadd.s32 $0x7, v0;
	v44 =	vadd.s32 $0x7, v22;
	v27 =	vadd.s32 $0x7, v19;
	v45 =	vld.idx.msk [tilespmem:v24+s4+$0x0], $0xffff;
	[tilespmem:s23+$0x9290] =	vst v15  }
0x71: {  	v13 =	vadd.s32 $0x8, v22;
	v47 =	vadd.s32 $0x7, v24;
	v15 =	vadd.s32 $0x8, v19;
	v19 =	vld.idx.msk [tilespmem:v10+s4+$0x0], $0xffff;
	[tilespmem:s23+$0x92A0] =	vst v34;
	v10 =	vmovc v14;
	s23 =	smov.u32 s25;
	s25 =	smov.u32 s31  }
0x72: {  	v14 =	vadd.s32 $0x8, v24;
	[tilespmem:s25+$0x12B0] =	vst v37;
	v22 =	vld.idx.msk [tilespmem:v11+s4+$0x0], $0xffff;
	v11 =	vmov v21  }
0x73: {  	[tilespmem:s25+$0x1280] =	vst v38;
	v21 =	vld.idx.msk [tilespmem:v40+s4+$0x0], $0xffff  }
0x74: {  	v24 =	vld.idx.msk [tilespmem:v25+s4+$0x0], $0xffff;
	[tilespmem:s23+$0x72B0] =	vst v23  }
0x75: {  	v23 =	vadd.s32 $0x2, v20;
	[tilespmem:s25+$0x1290] =	vst v41;
	v25 =	vld.idx.msk [tilespmem:v46+s4+$0x0], $0xffff  }
0x76: {  	v29 =	vld.idx.msk [tilespmem:v29+s4+$0x0], $0xffff;
	[tilespmem:s25+$0x12A0] =	vst v45  }
0x77: {  	v32 =	vld.idx.msk [tilespmem:v32+s4+$0x0], $0xffff;
	[tilespmem:s24+$0x6280] =	vst v19;
	v19 =	vadd.s32 $0x8, v0;
	v0 =	vmov v20  }
0x78: {  	s28 =	sadd.s32 $0x40, s28;
	[tilespmem:s23+$0x6290] =	vst v22;
	v20 =	vld.idx.msk [tilespmem:v12+s4+$0x0], $0xffff;
	v12 =	vmov v39  }
0x79: {  	s26 =	sand.u32 $0xFC0, s28;
	[tilespmem:s25+$0x22B0] =	vst v21;
	v21 =	vld.idx.msk [tilespmem:v7+s4+$0x0], $0xffff;
	v7 =	vmov v26  }
0x7a: {  	[tilespmem:s26+$0x2280] =	vst v24;
	v22 =	vld.idx.msk [tilespmem:v23+s4+$0x0], $0xffff  }
0x7b: {  	v23 =	vld.idx.msk [tilespmem:v28+s4+$0x0], $0xffff;
	[tilespmem:s23+$0x82B0] =	vst v25  }
0x7c: {  	v24 =	vadd.s32 $0x3, v0;
	[tilespmem:s25+$0x2290] =	vst v29;
	v19 =	vld.idx.msk [tilespmem:v19+s4+$0x0], $0xffff  }
0x7d: {  	v25 =	vld.idx.msk [tilespmem:v30+s4+$0x0], $0xffff;
	[tilespmem:s25+$0x22A0] =	vst v32  }
0x7e: {  	v26 =	vld.idx.msk [tilespmem:v33+s4+$0x0], $0xffff;
	[tilespmem:s23+$0x62A0] =	vst v20  }
0x7f: {  	[tilespmem:s24+$0x7280] =	vst v21;
	v20 =	vld.idx.msk [tilespmem:v9+s4+$0x0], $0xffff;
	v9 =	vmov v42  }
0x80: {  	[tilespmem:s25+$0x32B0] =	vst v22;
	v21 =	vld.idx.msk [tilespmem:v8+s4+$0x0], $0xffff;
	v8 =	vmov v43  }
0x81: {  	[tilespmem:s26+$0x3280] =	vst v23;
	v28 =	vld.idx.msk [tilespmem:v24+s4+$0x0], $0xffff  }
0x82: {  	v22 =	vld.idx.msk [tilespmem:v31+s4+$0x0], $0xffff;
	[tilespmem:s23+$0x92B0] =	vst v19  }
.Ltmp0:
0x83: {  	[tilespmem:s25+$0x3290] =	vst v25;
	v25 =	vadd.s32 $0x4, v0;
	v19 =	vld.idx.msk [tilespmem:v4+s4+$0x0], $0xffff;
	v4 =	vmov v27;
	(pc) =	sbr.rel @p0 .LBB2_3-.Ltmp0, $4  }
0x84: {  	v23 =	vld.idx.msk [tilespmem:v35+s4+$0x0], $0xffff;
	[tilespmem:s25+$0x32A0] =	vst v26  }
0x85: {  	v24 =	vld.idx.msk [tilespmem:v36+s4+$0x0], $0xffff;
	[tilespmem:s23+$0x7290] =	vst v20  }
0x86: {  	v20 =	vld.idx.msk [tilespmem:v5+s4+$0x0], $0xffff;
	[tilespmem:s23+$0x72A0] =	vst v21;
	v5 =	vmov v44  }
0x87: {  	s30 =	sadd.s32 $0x100, s30;
	[tilespmem:s25+$0x42B0] =	vst v28;
	v21 =	vld.idx.msk [tilespmem:v6+s4+$0x0], $0xffff;
	v6 =	vmov v47  }
0x88: {  	_ =	sdelay $0x3  }
0x89: {  	[tilespmem:s26+$0x4280] =	vst v22;
	v56 =	vld.idx.msk [tilespmem:v25+s4+$0x0], $0xffff  }
0x8a: {  	v57 =	vadd.s32 $0x5, v0;
	[tilespmem:s25+$0x4290] =	vst v23;
	v16 =	vld.idx.msk [tilespmem:v16+s4+$0x0], $0xffff  }
0x8b: {  	[tilespmem:s25+$0x42A0] =	vst v24;
	v18 =	vld.idx.msk [tilespmem:v18+s4+$0x0], $0xffff  }
0x8c: {  	v17 =	vld.idx.msk [tilespmem:v17+s4+$0x0], $0xffff;
	_ =	sdelay $0x1  }
0x8d: {  	[tilespmem:s25+$0x52B0] =	vst v56  }
0x8e: {  	v22 =	vld.idx.msk [tilespmem:v57+s4+$0x0], $0xffff;
	[tilespmem:s26+$0x5280] =	vst v16  }
0x8f: {  	v58 =	vadd.s32 $0x6, v0;
	[tilespmem:s25+$0x5290] =	vst v18;
	v10 =	vld.idx.msk [tilespmem:v10+s4+$0x0], $0xffff  }
0x90: {  	[tilespmem:s25+$0x52A0] =	vst v17;
	v11 =	vld.idx.msk [tilespmem:v11+s4+$0x0], $0xffff  }
0x91: {  	v12 =	vld.idx.msk [tilespmem:v12+s4+$0x0], $0xffff;
	_ =	sdelay $0x1  }
0x92: {  	[tilespmem:s25+$0x62B0] =	vst v22  }
0x93: {  	v16 =	vld.idx.msk [tilespmem:v58+s4+$0x0], $0xffff;
	[tilespmem:s26+$0x6280] =	vst v10  }
0x94: {  	v59 =	vadd.s32 $0x7, v0;
	[tilespmem:s25+$0x6290] =	vst v11;
	v7 =	vld.idx.msk [tilespmem:v7+s4+$0x0], $0xffff  }
0x95: {  	[tilespmem:s25+$0x62A0] =	vst v12;
	v9 =	vld.idx.msk [tilespmem:v9+s4+$0x0], $0xffff  }
0x96: {  	[tilespmem:s24+$0x8280] =	vst v19;
	v8 =	vld.idx.msk [tilespmem:v8+s4+$0x0], $0xffff  }
0x97: {  	[tilespmem:s23+$0x8290] =	vst v20  }
0x98: {  	v3 =	vld.idx.msk [tilespmem:v3+s4+$0x0], $0xffff;
	[tilespmem:s25+$0x72B0] =	vst v16  }
0x99: {  	v10 =	vld.idx.msk [tilespmem:v59+s4+$0x0], $0xffff;
	[tilespmem:s26+$0x7280] =	vst v7  }
0x9a: {  	v60 =	vadd.s32 $0x8, v0;
	v4 =	vld.idx.msk [tilespmem:v4+s4+$0x0], $0xffff;
	[tilespmem:s25+$0x7290] =	vst v9  }
0x9b: {  	v5 =	vld.idx.msk [tilespmem:v5+s4+$0x0], $0xffff;
	[tilespmem:s25+$0x72A0] =	vst v8  }
0x9c: {  	[tilespmem:s23+$0x82A0] =	vst v21;
	v6 =	vld.idx.msk [tilespmem:v6+s4+$0x0], $0xffff  }
0x9d: {  	v1 =	vld.idx.msk [tilespmem:v1+s4+$0x0], $0xffff;
	[tilespmem:s24+$0x9280] =	vst v3  }
0x9e: {  	v2 =	vld.idx.msk [tilespmem:v2+s4+$0x0], $0xffff;
	[tilespmem:s25+$0x82B0] =	vst v10  }
0x9f: {  	v0 =	vld.idx.msk [tilespmem:v60+s4+$0x0], $0xffff;
	[tilespmem:s26+$0x8280] =	vst v4  }
0xa0: {  	[tilespmem:s25+$0x8290] =	vst v5;
	v61 =	vld.idx.msk [tilespmem:v15+s4+$0x0], $0xffff  }
0xa1: {  	[tilespmem:s25+$0x82A0] =	vst v6;
	v62 =	vld.idx.msk [tilespmem:v13+s4+$0x0], $0xffff  }
0xa2: {  	[tilespmem:s23+$0x9290] =	vst v1;
	v63 =	vld.idx.msk [tilespmem:v14+s4+$0x0], $0xffff  }
0xa3: {  	s22 =	smul.u32 $0x24000, s22;
	[tilespmem:s23+$0x92A0] =	vst v2  }
0xa4: {  	[tilespmem:s25+$0x92B0] =	vst v0  }
0xa5: {  	s21 =	sor.u32 s21, s22;
	[tilespmem:s26+$0x9280] =	vst v61  }
0xa6: {  	s22 =	sshrl.u32 s21, $0x3;
	[tilespmem:s25+$0x9290] =	vst v62  }
0xa7: {  	s22 =	sadd.s32 s2, s22;
	[tilespmem:s25+$0x92A0] =	vst v63  }
0xa8: {  	[hbm4b:s22+s4] =	stream.linear.scatter [tilespmem:s10], [sflag:$0x1], $0x1000, $0x38;
	[tilespmem:$0xA280] =	vst v63  }
0xa9: {  	s24 =	sadd.s32 $0x4000, s21;
	_ =	swait.ge [sflag:s8], $0x1000  }
0xaa: {  	s22 =	sshrl.u32 s24, $0x3;
	[sflag:s8] =	ssyncset.done $0x0  }
0xab: {  	s22 =	sadd.s32 s2, s22;
	[sflag:s8] =	ssyncadd.s32 $0xFFFFF000  }
0xac: {  	[hbm4b:s22+s4] =	stream.linear.scatter [tilespmem:s11], [sflag:$0x1], $0x1000, $0x38;
	[tilespmem:$0xA280] =	vst v63  }
0xad: {  	s25 =	sadd.s32 $0x8000, s21;
	_ =	swait.ge [sflag:s8], $0x1000  }
0xae: {  	s22 =	sshrl.u32 s25, $0x3;
	[sflag:s8] =	ssyncset.done $0x0  }
0xaf: {  	s22 =	sadd.s32 s2, s22;
	[sflag:s8] =	ssyncadd.s32 $0xFFFFF000  }
0xb0: {  	[hbm4b:s22+s4] =	stream.linear.scatter [tilespmem:s12], [sflag:$0x1], $0x1000, $0x38;
	[tilespmem:$0xA280] =	vst v63  }
0xb1: {  	s26 =	sadd.s32 $0xC000, s21;
	_ =	swait.ge [sflag:s8], $0x1000  }
0xb2: {  	s22 =	sshrl.u32 s26, $0x3;
	[sflag:s8] =	ssyncset.done $0x0  }
0xb3: {  	s22 =	sadd.s32 s2, s22;
	[sflag:s8] =	ssyncadd.s32 $0xFFFFF000  }
0xb4: {  	[hbm4b:s22+s4] =	stream.linear.scatter [tilespmem:s13], [sflag:$0x1], $0x1000, $0x38;
	[tilespmem:$0xA280] =	vst v63  }
0xb5: {  	s28 =	sadd.s32 $0x10000, s21;
	_ =	swait.ge [sflag:s8], $0x1000  }
0xb6: {  	s22 =	sshrl.u32 s28, $0x3;
	[sflag:s8] =	ssyncset.done $0x0  }
0xb7: {  	s22 =	sadd.s32 s2, s22;
	[sflag:s8] =	ssyncadd.s32 $0xFFFFF000  }
0xb8: {  	[hbm4b:s22+s4] =	stream.linear.scatter [tilespmem:s14], [sflag:$0x1], $0x1000, $0x38;
	[tilespmem:$0xA280] =	vst v63  }
0xb9: {  	s29 =	sadd.s32 $0x14000, s21;
	_ =	swait.ge [sflag:s8], $0x1000  }
0xba: {  	s22 =	sshrl.u32 s29, $0x3;
	[sflag:s8] =	ssyncset.done $0x0  }
0xbb: {  	s22 =	sadd.s32 s2, s22;
	[sflag:s8] =	ssyncadd.s32 $0xFFFFF000  }
0xbc: {  	[hbm4b:s22+s4] =	stream.linear.scatter [tilespmem:s15], [sflag:$0x1], $0x1000, $0x38;
	[tilespmem:$0xA280] =	vst v63  }
0xbd: {  	s30 =	sadd.s32 $0x18000, s21;
	_ =	swait.ge [sflag:s8], $0x1000  }
0xbe: {  	s22 =	sshrl.u32 s30, $0x3;
	[sflag:s8] =	ssyncset.done $0x0  }
0xbf: {  	s22 =	sadd.s32 s2, s22;
	[sflag:s8] =	ssyncadd.s32 $0xFFFFF000  }
0xc0: {  	[hbm4b:s22+s4] =	stream.linear.scatter [tilespmem:s16], [sflag:$0x1], $0x1000, $0x38;
	[tilespmem:$0xA280] =	vst v63  }
0xc1: {  	s31 =	sadd.s32 $0x1C000, s21;
	_ =	swait.ge [sflag:s8], $0x1000  }
0xc2: {  	s22 =	sshrl.u32 s31, $0x3;
	[sflag:s8] =	ssyncset.done $0x0  }
0xc3: {  	s22 =	sadd.s32 s2, s22;
	[sflag:s8] =	ssyncadd.s32 $0xFFFFF000  }
0xc4: {  	[hbm4b:s22+s4] =	stream.linear.scatter [tilespmem:s17], [sflag:$0x1], $0x1000, $0x38;
	[tilespmem:$0xA280] =	vst v63  }
0xc5: {  	s20 =	sadd.s32 $0x1, s20;
	s21 =	sadd.s32 $0x20000, s21;
	_ =	swait.ge [sflag:s8], $0x1000  }
0xc6: {  	p0 =	sne.s32 s20, $0xC;
	s21 =	sshrl.u32 s21, $0x3;
	[sflag:s8] =	ssyncset.done $0x0  }
.Ltmp1:
0xc7: {  	s21 =	sadd.s32 s2, s21;
	[sflag:s8] =	ssyncadd.s32 $0xFFFFF000;
	(pc) =	sbr.rel @p0 .LBB2_2-.Ltmp1, $4  }
0xc8: {  	[hbm4b:s21+s4] =	stream.linear.scatter [tilespmem:s18], [sflag:$0x1], $0x1000, $0x38;
	[tilespmem:$0xA280] =	vst v63  }
0xc9: {  	_ =	swait.ge [sflag:s8], $0x1000  }
0xca: {  	[sflag:s8] =	ssyncset.done $0x0  }
0xcb: {  	[sflag:s8] =	ssyncadd.s32 $0xFFFFF000  }
0xcc: {  	s19 =	sadd.s32 $0x1, s19  }
0xcd: {  	p0 =	sne.s32 s19, s7  }
.Ltmp2:
0xce: {  	_ = 	snop;
	(pc) =	sbr.rel @p0 .LBB2_1-.Ltmp2, $1  }
0xcf: {  	_ =	sdelay $0x3  }
0xd0: {  	_ =	sfence.sel $0x180000  }
0xd1: {  	[bflag:$0x0] =	sbarrier.arrive $0xFFFF  }
0xd2: {  	p0 =	sne.s32 s3, $0x0;
	_ =	strace $0x90000047  }
0xd3: {  	s0 =	sadd.s32 @!p0 $0x100000, s0;
	[bflag:$0x2] =	sbarrier.arrive $0xFFFF  }
0xd4: {  	[sflag:s0] =	ssyncadd.tile.s32 @!p0 $0x1;
	_ =	shalt  }
.Lfunc_end2:
_tile_overlayer_lowered:
.L_overlay_start_2:
0xd5: {  	(tag) =	ssettag $0x2  }
0xd6: {  	s0 =	rddreg [dreg:$0x0];
	s2 =	stileid.u32  }
0xd7: {  	s1 =	rddreg [dreg:$0x1];
	p0 =	sne.s32 s2, $0x0  }
0xd8: {  	s3 =	rddreg [dreg:$0x2];
	[bflag:$0x3] =	sbarrier.arrive $0xFFFF;
	s2 =	simm.s32 @!p0 $0x1C01  }
0xd9: {  	[timem:s3], [sflag:s2] =	dma.local @!p0 [hbm:s0], s1  }
0xda: {  	s0 =	simm.s32 @!p0 $0x1  }
0xdb: {  	_ =	swait.ge @!p0 [sflag:s0], s1  }
0xdc: {  	s1 =	ssub.s32 @!p0 $0x0, s1;
	[sflag:s0] =	ssyncset.done @!p0 $0x0  }
0xdd: {  	[sflag:s0] =	ssyncadd.s32 @!p0 s1  }
0xde: {  	[bflag:$0x3] =	sbarrier.arrive $0xFFFF  }
0xdf: {  	_ =	shalt  }

</sc_bundles>
